<compile_context>
chip_gen: v7x
topology: tpu7x:2x2x1
jax: 0.10.2.dev20260603
libtpu: 0.0.44.dev20260713+nightly
codegen_flags: <defaults>
</compile_context>

<pallas_src>
import functools

import jax
import jax.numpy as jnp
from jax import lax
from jax.experimental import pallas as pl
from jax.experimental.pallas import tpu as pltpu
from jax.experimental.pallas import tpu_sc as plsc

N = 10000
E = 320000
D = 128
NUM_RBF = 32
CUTOFF = 6.0
STEP = CUTOFF / (NUM_RBF - 1)
GAMMA = 1.0 / max(STEP * STEP, 1e-06)

BN = 1000
BE = 2560

_NC = 2
_NS = 16
_NW = _NC * _NS
_L = 16

_NH = 1
_EH = E // _NH
_EPW = _EH // _NW

_GCH = 400
_GSUBS = tuple((o, 80) for o in range(0, 400, 80))
_GNCH = _EPW // _GCH

_SCH = 200
_SSUB = 100
_SNSUB = _SCH // _SSUB
_SNCH = _EPW // _SCH
_RPT = 624
_RTAIL = N - _NS * _RPT


def _silu(x):
    return x * (1.0 / (1.0 + jnp.exp(-x)))


def _table_body(h_ref, w1at_ref, w1bt_ref, a_ref, b_ref):
    h = h_ref[...]
    a_ref[...] = jnp.dot(h, w1at_ref[...], preferred_element_type=jnp.float32)
    b_ref[...] = jnp.dot(h, w1bt_ref[...], preferred_element_type=jnp.float32)


def _build_tables(h, w1at, w1bt):
    grid = N // BN
    return pl.pallas_call(
        _table_body,
        grid=(grid,),
        in_specs=[
            pl.BlockSpec((BN, D), lambda i: (i, 0)),
            pl.BlockSpec((D, D), lambda i: (0, 0)),
            pl.BlockSpec((D, D), lambda i: (0, 0)),
        ],
        out_specs=[
            pl.BlockSpec((BN, D), lambda i: (i, 0)),
            pl.BlockSpec((BN, D), lambda i: (i, 0)),
        ],
        out_shape=[
            jax.ShapeDtypeStruct((N, D), jnp.float32),
            jax.ShapeDtypeStruct((N, D), jnp.float32),
        ],
    )(h, w1at, w1bt)


def _sc_mesh():
    return plsc.VectorSubcoreMesh(core_axis_name="c", subcore_axis_name="s")


def _sc_gather_body(ta, tb, srcr, dstr, pxr, pyr, pzr,
                    ga, gb, d2o, cnto,
                    idxs, idxd, buf, d2b, cntb, px, py, pz, sem):
    cid = lax.axis_index("c")
    sid = lax.axis_index("s")
    wid = sid * _NC + cid
    base = wid * _EPW

    pltpu.sync_copy(pxr, px)
    pltpu.sync_copy(pyr, py)
    pltpu.sync_copy(pzr, pz)
    pltpu.sync_copy(srcr.at[pl.ds(base, _EPW)], idxs)
    pltpu.sync_copy(dstr.at[pl.ds(base, _EPW)], idxd)

    zero16 = jnp.zeros((_L,), jnp.float32)

    def zinit(r, carry):
        cntb[pl.ds(r * _L, _L)] = zero16
        return carry

    lax.fori_loop(0, N // _L, zinit, 0)

    one16 = jnp.ones((_L,), jnp.float32)

    def chunk(i, carry):
        off = base + i * _GCH
        coff = i * _GCH
        ha = []
        for (o, sz) in _GSUBS:
            ha.append(pltpu.async_copy(ta.at[idxs.at[pl.ds(coff + o, sz)]],
                                       buf.at[pl.ds(o, sz)], sem))

        def dcomp(k, c2):
            s16 = pl.ds(coff + k * _L, _L)
            iv_s = idxs[s16]
            iv_d = idxd[s16]
            dx = plsc.load_gather(px, [iv_s]) - plsc.load_gather(px, [iv_d])
            dy = plsc.load_gather(py, [iv_s]) - plsc.load_gather(py, [iv_d])
            dz = plsc.load_gather(pz, [iv_s]) - plsc.load_gather(pz, [iv_d])
            d2b[pl.ds(k * _L, _L)] = dx * dx + dy * dy + dz * dz
            plsc.addupdate_scatter(cntb, [iv_d], one16)
            return c2

        lax.fori_loop(0, _GCH // _L, dcomp, 0)
        pltpu.sync_copy(d2b, d2o.at[pl.ds(off, _GCH)])

        for h in ha:
            h.wait()
        pltpu.sync_copy(buf, ga.at[pl.ds(off, _GCH)])
        hb = []
        for (o, sz) in _GSUBS:
            hb.append(pltpu.async_copy(tb.at[idxd.at[pl.ds(coff + o, sz)]],
                                       buf.at[pl.ds(o, sz)], sem))
        for h in hb:
            h.wait()
        pltpu.sync_copy(buf, gb.at[pl.ds(off, _GCH)])
        return carry

    lax.fori_loop(0, _GNCH, chunk, 0)
    for blk in range(N // BN):
        pltpu.sync_copy(cntb.at[pl.ds(blk * BN, BN)],
                        cnto.at[pl.ds((blk * _NW + wid) * BN, BN)])


def _sc_gather(ta, tb, src, dst, px, py, pz):
    f = pl.kernel(
        _sc_gather_body,
        out_type=[
            jax.ShapeDtypeStruct((_EH, D), jnp.float32),
            jax.ShapeDtypeStruct((_EH, D), jnp.float32),
            jax.ShapeDtypeStruct((_EH,), jnp.float32),
            jax.ShapeDtypeStruct((N * _NW,), jnp.float32),
        ],
        mesh=_sc_mesh(),
        scratch_types=[
            pltpu.VMEM((_EPW,), jnp.int32),
            pltpu.VMEM((_EPW,), jnp.int32),
            pltpu.VMEM((_GCH, D), jnp.float32),
            pltpu.VMEM((_GCH,), jnp.float32),
            pltpu.VMEM((N,), jnp.float32),
            pltpu.VMEM((N,), jnp.float32),
            pltpu.VMEM((N,), jnp.float32),
            pltpu.VMEM((N,), jnp.float32),
            pltpu.SemaphoreType.DMA,
        ],
        compiler_params=pltpu.CompilerParams(needs_layout_passes=False),
    )
    return f(ta, tb, src, dst, px, py, pz)


def _sc_scatter_body(msgp, dst2, zer, out, shared, msgbuf, idxv, sem):
    cid = lax.axis_index("c")
    sid = lax.axis_index("s")
    wid = sid * _NC + cid
    rows = pl.ds(sid * _RPT, _RPT)
    tail = pl.ds(_NS * _RPT, _RTAIL)
    pltpu.sync_copy(zer.at[rows], shared.at[rows])

    @pl.when(sid == 0)
    def _():
        pltpu.sync_copy(zer.at[tail], shared.at[tail])

    plsc.subcore_barrier()
    base = wid * _EPW

    def chunk(i, carry):
        off = base + i * _SCH
        pltpu.sync_copy(msgp.at[pl.ds(off, _SCH)], msgbuf)
        row0 = wid * (_EPW // _SSUB) + i * _SNSUB
        pltpu.sync_copy(dst2.at[pl.ds(row0, _SNSUB)], idxv)
        hs = []
        for j in range(_SNSUB):
            hs.append(pltpu.async_copy(
                msgbuf.at[pl.ds(j * _SSUB, _SSUB)],
                shared.at[idxv.at[j]], sem, add=True))
        for h in hs:
            h.wait()
        return carry

    lax.fori_loop(0, _SNCH, chunk, 0)
    plsc.subcore_barrier()
    pltpu.sync_copy(shared.at[rows], out.at[cid, rows])

    @pl.when(sid == 0)
    def _():
        pltpu.sync_copy(shared.at[tail], out.at[cid, tail])


def _sc_scatter(msgp, dst2, init):
    f = pl.kernel(
        _sc_scatter_body,
        out_type=jax.ShapeDtypeStruct((_NC, N, D), jnp.float32),
        mesh=_sc_mesh(),
        scratch_types=[
            pltpu.MemorySpace.VMEM_SHARED((N, D), jnp.float32),
            pltpu.VMEM((_SCH, D), jnp.float32),
            pltpu.VMEM((_SNSUB, _SSUB), jnp.int32),
            pltpu.SemaphoreType.DMA,
        ],
        compiler_params=pltpu.CompilerParams(needs_layout_passes=False),
    )
    return f(msgp, dst2, init)


def _edge_body(ga_ref, gb_ref, d2_ref, et_ref, emb_ref, w1ct_ref, w1rt_ref,
               w1d_ref, b1_ref, w2t_ref, b2_ref, out_ref):
    gs = ga_ref[...] + gb_ref[...]
    dist = jnp.sqrt(d2_ref[...])
    centers = STEP * lax.broadcasted_iota(jnp.int32, (1, NUM_RBF), 1).astype(jnp.float32)
    diff = dist - centers
    radial = jnp.exp(-GAMMA * diff * diff)
    t = jnp.dot(emb_ref[...], w1ct_ref[...], preferred_element_type=jnp.float32) \
        + b1_ref[...]
    et = et_ref[...]
    tsel = t[0:1, :] * (1.0 - et) + t[1:2, :] * et
    pre1 = (gs + tsel
            + jnp.dot(radial, w1rt_ref[...], preferred_element_type=jnp.float32)
            + dist * w1d_ref[...])
    x = _silu(pre1)
    out_ref[...] = _silu(
        jnp.dot(x, w2t_ref[...], preferred_element_type=jnp.float32)
        + b2_ref[...])


def _edge_mlp(ga, gb, d2, etf, emb, w1ct, w1rt, w1d, b1, w2t, b2):
    grid = _EH // BE
    full = lambda i: (0, 0)
    return pl.pallas_call(
        _edge_body,
        grid=(grid,),
        in_specs=[
            pl.BlockSpec((BE, D), lambda i: (i, 0)),
            pl.BlockSpec((BE, D), lambda i: (i, 0)),
            pl.BlockSpec((BE, 1), lambda i: (i, 0)),
            pl.BlockSpec((BE, 1), lambda i: (i, 0)),
            pl.BlockSpec((2, D), full),
            pl.BlockSpec((D, D), full),
            pl.BlockSpec((NUM_RBF, D), full),
            pl.BlockSpec((1, D), full),
            pl.BlockSpec((1, D), full),
            pl.BlockSpec((D, D), full),
            pl.BlockSpec((1, D), full),
        ],
        out_specs=pl.BlockSpec((BE, D), lambda i: (i, 0)),
        out_shape=jax.ShapeDtypeStruct((_EH, D), jnp.float32),
    )(ga, gb, d2, etf, emb, w1ct, w1rt, w1d, b1, w2t, b2)


def _node_body(h_ref, s0_ref, s1_ref, cnt_ref, nt_ref, u1at_ref,
               u1bt_ref, c1_ref, u2t_ref, c2_ref, g_ref, bta_ref, out_ref):
    h = h_ref[...]
    s = s0_ref[...] + s1_ref[...]
    cnt = jnp.sum(cnt_ref[0], axis=0, keepdims=True)
    recip = 1.0 / jnp.maximum(cnt, 1.0)
    ii = lax.broadcasted_iota(jnp.int32, (BN, BN), 0)
    jj = lax.broadcasted_iota(jnp.int32, (BN, BN), 1)
    dg = jnp.where(ii == jj, recip, 0.0)
    agg = jnp.dot(dg, s, preferred_element_type=jnp.float32)
    u = _silu(jnp.dot(h, u1at_ref[...], preferred_element_type=jnp.float32)
              + jnp.dot(agg, u1bt_ref[...], preferred_element_type=jnp.float32)
              + c1_ref[...])
    upd = jnp.dot(u, u2t_ref[...], preferred_element_type=jnp.float32) + c2_ref[...]
    pre = h + upd
    mu = jnp.mean(pre, axis=1, keepdims=True)
    cent = pre - mu
    var = jnp.mean(cent * cent, axis=1, keepdims=True)
    ln = cent * lax.rsqrt(var + 1e-05) * g_ref[...] + bta_ref[...]
    out_ref[...] = jnp.where(nt_ref[...] == 1.0, ln, h)


def _node_update(h, s0, s1, cnt, ntf, u1at, u1bt, c1, u2t, c2, g, b):
    grid = N // BN
    full = lambda i: (0, 0)
    return pl.pallas_call(
        _node_body,
        grid=(grid,),
        in_specs=[
            pl.BlockSpec((BN, D), lambda i: (i, 0)),
            pl.BlockSpec((BN, D), lambda i: (i, 0)),
            pl.BlockSpec((BN, D), lambda i: (i, 0)),
            pl.BlockSpec((1, _NW, BN), lambda i: (i, 0, 0)),
            pl.BlockSpec((BN, 1), lambda i: (i, 0)),
            pl.BlockSpec((D, D), full),
            pl.BlockSpec((D, D), full),
            pl.BlockSpec((1, D), full),
            pl.BlockSpec((D, D), full),
            pl.BlockSpec((1, D), full),
            pl.BlockSpec((1, D), full),
            pl.BlockSpec((1, D), full),
        ],
        out_specs=pl.BlockSpec((BN, D), lambda i: (i, 0)),
        out_shape=jax.ShapeDtypeStruct((N, D), jnp.float32),
    )(h, s0, s1, cnt, ntf, u1at, u1bt, c1, u2t, c2, g, b)


def kernel(h, pos, edge_index, edge_type, node_type, emb, W1, b1, W2, b2,
           U1, c1, U2, c2, gamma_ln, beta_ln):
    src32 = edge_index[0].astype(jnp.int32)
    dst32 = edge_index[1].astype(jnp.int32)
    w1at = W1[:, :D].T
    w1bt = W1[:, D:2 * D].T
    w1ct = W1[:, 2 * D:3 * D].T
    w1rt = W1[:, 3 * D:3 * D + NUM_RBF].T
    w1d = W1[:, 3 * D + NUM_RBF][None, :]
    b1r = b1[None, :]
    w2t = W2.T
    b2r = b2[None, :]
    u1at = U1[:, :D].T
    u1bt = U1[:, D:].T
    c1r = c1[None, :]
    u2t = U2.T
    c2r = c2[None, :]
    gr = gamma_ln[None, :]
    br = beta_ln[None, :]
    px = pos[:, 0]
    py = pos[:, 1]
    pz = pos[:, 2]

    ta, tb = _build_tables(h, w1at, w1bt)

    etf = edge_type.astype(jnp.float32)[:, None]

    ga, gb, d2, cntf = _sc_gather(ta, tb, src32, dst32, px, py, pz)
    cnt = cntf.reshape(N // BN, _NW, BN)
    msgp = _edge_mlp(ga, gb, d2[:, None], etf, emb, w1ct, w1rt, w1d, b1r,
                     w2t, b2r)
    zer = jnp.zeros((N, D), jnp.float32)
    dst2 = dst32.reshape(E // _SSUB, _SSUB)
    parts = _sc_scatter(msgp, dst2, zer)

    ntf = node_type.astype(jnp.float32)[:, None]
    return _node_update(h, parts[0], parts[1], cnt, ntf, u1at,
                        u1bt, c1r, u2t, c2r, gr, br)

# --- scband reference (transcript-rebuilt; emitter-appended) ---
"""Pipeline reference for scband-context-message-block-23802708755005 (READ-ONLY COPY).

The authoritative reference and input builder live on the scoring server;
editing this copy changes nothing except your own understanding.
"""

import jax, jax.numpy as jnp
import numpy as np

N = 10000
E = 320000
D = 128
NUM_RBF = 32
CUTOFF = 6.0
NUM_EDGE_TYPES = 2
LIGAND_NODE = 1
IN1 = 3 * D + NUM_RBF + 1


def _linear_params(key, fan_in, fan_out):
    k1, k2 = jax.random.split(key)
    bound = 1.0 / np.sqrt(fan_in)
    W = jax.random.uniform(k1, (fan_out, fan_in), minval=-bound, maxval=bound, dtype=jnp.float32)
    b = jax.random.uniform(k2, (fan_out,), minval=-bound, maxval=bound, dtype=jnp.float32)
    return W, b


def setup_inputs(seed: int = 0) -> dict:
    key = jax.random.key(seed)
    ks = jax.random.split(key, 12)
    h = jax.random.normal(ks[0], (N, D), dtype=jnp.float32)
    pos = jax.random.normal(ks[1], (N, 3), dtype=jnp.float32)
    edge_index = jax.random.randint(ks[2], (2, E), 0, N)
    edge_type = jax.random.randint(ks[3], (E,), 0, NUM_EDGE_TYPES)
    node_type = jax.random.randint(ks[4], (N,), 0, 2)
    emb = jax.random.normal(ks[5], (NUM_EDGE_TYPES, D), dtype=jnp.float32)
    W1, b1 = _linear_params(ks[6], IN1, D)
    W2, b2 = _linear_params(ks[7], D, D)
    U1, c1 = _linear_params(ks[8], 2 * D, D)
    U2, c2 = _linear_params(ks[9], D, D)
    gamma_ln = jnp.ones((D,), dtype=jnp.float32)
    beta_ln = jnp.zeros((D,), dtype=jnp.float32)
    return {
        'h': h, 'pos': pos, 'edge_index': edge_index, 'edge_type': edge_type,
        'node_type': node_type, 'emb': emb, 'W1': W1, 'b1': b1, 'W2': W2, 'b2': b2,
        'U1': U1, 'c1': c1, 'U2': U2, 'c2': c2, 'gamma_ln': gamma_ln, 'beta_ln': beta_ln,
    }


def reference(h, pos, edge_index, edge_type, node_type, emb, W1, b1, W2, b2, U1, c1, U2, c2, gamma_ln, beta_ln):
    src = edge_index[0]
    dst = edge_index[1]
    # Gaussian RBF buffer (non-trainable)
    centers = jnp.linspace(0.0, CUTOFF, NUM_RBF, dtype=jnp.float32)
    step = CUTOFF / (NUM_RBF - 1)
    gamma = 1.0 / max(step * step, 1e-06)
    rel = jnp.take(pos, src, axis=0) - jnp.take(pos, dst, axis=0)
    dist = jnp.linalg.norm(rel, axis=-1)
    diff = dist[:, None] - centers[None, :]
    radial = jnp.exp(-gamma * jnp.square(diff))
    edge_kind = jnp.take(emb, edge_type, axis=0)
    m_in = jnp.concatenate([jnp.take(h, src, axis=0), jnp.take(h, dst, axis=0), edge_kind, radial, dist[:, None]], axis=-1)
    x = jax.nn.silu(m_in @ W1.T + b1)
    messages = jax.nn.silu(x @ W2.T + b2)  # dropout is identity in eval mode
    sums = jax.ops.segment_sum(messages, dst, num_segments=N)
    counts = jax.ops.segment_sum(jnp.ones((E,), dtype=jnp.float32), dst, num_segments=N)
    counts = jnp.clip(counts, 1.0)
    aggregated = sums / counts[:, None]
    u = jax.nn.silu(jnp.concatenate([h, aggregated], axis=-1) @ U1.T + c1)
    update = u @ U2.T + c2
    pre = h + update
    mu = jnp.mean(pre, axis=-1, keepdims=True)
    var = jnp.mean(jnp.square(pre - mu), axis=-1, keepdims=True)
    ln = (pre - mu) / jnp.sqrt(var + 1e-05) * gamma_ln + beta_ln
    ligand_mask = (node_type == LIGAND_NODE)
    out = jnp.where(ligand_mask[:, None], ln, h)
    return out

if __name__ == "__main__":
    import jax
    _d = setup_inputs()
    print(jax.jit(kernel)(*tuple(_d.values())))

</pallas_src>

<mosaic_0001>
#map = affine_map<(d0, d1) -> (0, 0)>
#map1 = affine_map<(d0, d1) -> (0)>
module attributes {stable_mosaic.version = 14 : i64} {
  func.func @_sc_gather_body(%arg0: i32, %arg1: i32, %arg2: memref<10000x128xf32, #tpu.memory_space<hbm>>, %arg3: memref<10000x128xf32, #tpu.memory_space<hbm>>, %arg4: memref<320000xi32, #tpu.memory_space<hbm>>, %arg5: memref<320000xi32, #tpu.memory_space<hbm>>, %arg6: memref<10000xf32, #tpu.memory_space<hbm>>, %arg7: memref<10000xf32, #tpu.memory_space<hbm>>, %arg8: memref<10000xf32, #tpu.memory_space<hbm>>, %arg9: memref<320000x128xf32, #tpu.memory_space<hbm>>, %arg10: memref<320000x128xf32, #tpu.memory_space<hbm>>, %arg11: memref<320000xf32, #tpu.memory_space<hbm>>, %arg12: memref<320000xf32, #tpu.memory_space<hbm>>, %arg13: memref<10000xi32, #tpu.memory_space<vmem>>, %arg14: memref<10000xi32, #tpu.memory_space<vmem>>, %arg15: memref<400x128xf32, #tpu.memory_space<vmem>>, %arg16: memref<400xf32, #tpu.memory_space<vmem>>, %arg17: memref<10000xf32, #tpu.memory_space<vmem>>, %arg18: memref<10000xf32, #tpu.memory_space<vmem>>, %arg19: memref<10000xf32, #tpu.memory_space<vmem>>, %arg20: memref<10000xf32, #tpu.memory_space<vmem>>, %arg21: memref<!tpu.dma_semaphore, #tpu.memory_space<semaphore_mem>>) attributes {dimension_semantics = [#tpu.dimension_semantics<core_parallel>, #tpu.dimension_semantics<subcore_parallel>], iteration_bounds = array<i64: 2, 16>, scalar_prefetch = 0 : i64, scratch_operands = 9 : i64, tpu.core_type = #tpu.core_type<sc_vector_subcore>, window_params = [{transform_indices = #map}, {transform_indices = #map}, {transform_indices = #map1}, {transform_indices = #map1}, {transform_indices = #map1}, {transform_indices = #map1}, {transform_indices = #map1}, {transform_indices = #map}, {transform_indices = #map}, {transform_indices = #map1}, {transform_indices = #map1}]} {
    %mul3A = arith.constant 2 : i32
    %mul3A_0 = arith.muli %arg1, %mul3A : i32
    %add3A = arith.addi %mul3A_0, %arg0 : i32
    %mul3A_1 = arith.constant 10000 : i32
    %mul3A_2 = arith.muli %add3A, %mul3A_1 : i32
    "tpu.region"() ({
      %run_scoped3A = tpu.sem_alloc : memref<!tpu.dma_semaphore, #tpu.memory_space<semaphore_mem>>
      tpu.enqueue_dma source(%arg6 : memref<10000xf32, #tpu.memory_space<hbm>>) target(%arg18 : memref<10000xf32, #tpu.memory_space<vmem>>) target_semaphore(%run_scoped3A : memref<!tpu.dma_semaphore, #tpu.memory_space<semaphore_mem>>)
      tpu.wait_dma2 semaphore(%run_scoped3A : memref<!tpu.dma_semaphore, #tpu.memory_space<semaphore_mem>>) src(%arg6 : memref<10000xf32, #tpu.memory_space<hbm>>) dst(%arg18 : memref<10000xf32, #tpu.memory_space<vmem>>)
      tpu.yield
    }) : () -> ()
    "tpu.region"() ({
      %run_scoped3A = tpu.sem_alloc : memref<!tpu.dma_semaphore, #tpu.memory_space<semaphore_mem>>
      tpu.enqueue_dma source(%arg7 : memref<10000xf32, #tpu.memory_space<hbm>>) target(%arg19 : memref<10000xf32, #tpu.memory_space<vmem>>) target_semaphore(%run_scoped3A : memref<!tpu.dma_semaphore, #tpu.memory_space<semaphore_mem>>)
      tpu.wait_dma2 semaphore(%run_scoped3A : memref<!tpu.dma_semaphore, #tpu.memory_space<semaphore_mem>>) src(%arg7 : memref<10000xf32, #tpu.memory_space<hbm>>) dst(%arg19 : memref<10000xf32, #tpu.memory_space<vmem>>)
      tpu.yield
    }) : () -> ()
    "tpu.region"() ({
      %run_scoped3A = tpu.sem_alloc : memref<!tpu.dma_semaphore, #tpu.memory_space<semaphore_mem>>
      tpu.enqueue_dma source(%arg8 : memref<10000xf32, #tpu.memory_space<hbm>>) target(%arg20 : memref<10000xf32, #tpu.memory_space<vmem>>) target_semaphore(%run_scoped3A : memref<!tpu.dma_semaphore, #tpu.memory_space<semaphore_mem>>)
      tpu.wait_dma2 semaphore(%run_scoped3A : memref<!tpu.dma_semaphore, #tpu.memory_space<semaphore_mem>>) src(%arg8 : memref<10000xf32, #tpu.memory_space<hbm>>) dst(%arg20 : memref<10000xf32, #tpu.memory_space<vmem>>)
      tpu.yield
    }) : () -> ()
    "tpu.region"() ({
      %run_scoped3A = tpu.sem_alloc : memref<!tpu.dma_semaphore, #tpu.memory_space<semaphore_mem>>
      %dma_start3A = tpu.memref_slice %arg4[%mul3A_2] : memref<320000xi32, #tpu.memory_space<hbm>> -> memref<10000xi32, #tpu.memory_space<hbm>>
      %dma_start3A_57 = tpu.memref_slice %arg4[%mul3A_2] : memref<320000xi32, #tpu.memory_space<hbm>> -> memref<10000xi32, #tpu.memory_space<hbm>>
      tpu.enqueue_dma source(%dma_start3A_57 : memref<10000xi32, #tpu.memory_space<hbm>>) target(%arg13 : memref<10000xi32, #tpu.memory_space<vmem>>) target_semaphore(%run_scoped3A : memref<!tpu.dma_semaphore, #tpu.memory_space<semaphore_mem>>)
      %dma_wait3A = tpu.memref_slice %arg4[%mul3A_2] : memref<320000xi32, #tpu.memory_space<hbm>> -> memref<10000xi32, #tpu.memory_space<hbm>>
      %dma_wait3A_58 = tpu.memref_slice %arg4[%mul3A_2] : memref<320000xi32, #tpu.memory_space<hbm>> -> memref<10000xi32, #tpu.memory_space<hbm>>
      tpu.wait_dma2 semaphore(%run_scoped3A : memref<!tpu.dma_semaphore, #tpu.memory_space<semaphore_mem>>) src(%dma_wait3A_58 : memref<10000xi32, #tpu.memory_space<hbm>>) dst(%arg13 : memref<10000xi32, #tpu.memory_space<vmem>>)
      tpu.yield
    }) : () -> ()
    "tpu.region"() ({
      %run_scoped3A = tpu.sem_alloc : memref<!tpu.dma_semaphore, #tpu.memory_space<semaphore_mem>>
      %dma_start3A = tpu.memref_slice %arg5[%mul3A_2] : memref<320000xi32, #tpu.memory_space<hbm>> -> memref<10000xi32, #tpu.memory_space<hbm>>
      %dma_start3A_57 = tpu.memref_slice %arg5[%mul3A_2] : memref<320000xi32, #tpu.memory_space<hbm>> -> memref<10000xi32, #tpu.memory_space<hbm>>
      tpu.enqueue_dma source(%dma_start3A_57 : memref<10000xi32, #tpu.memory_space<hbm>>) target(%arg14 : memref<10000xi32, #tpu.memory_space<vmem>>) target_semaphore(%run_scoped3A : memref<!tpu.dma_semaphore, #tpu.memory_space<semaphore_mem>>)
      %dma_wait3A = tpu.memref_slice %arg5[%mul3A_2] : memref<320000xi32, #tpu.memory_space<hbm>> -> memref<10000xi32, #tpu.memory_space<hbm>>
      %dma_wait3A_58 = tpu.memref_slice %arg5[%mul3A_2] : memref<320000xi32, #tpu.memory_space<hbm>> -> memref<10000xi32, #tpu.memory_space<hbm>>
      tpu.wait_dma2 semaphore(%run_scoped3A : memref<!tpu.dma_semaphore, #tpu.memory_space<semaphore_mem>>) src(%dma_wait3A_58 : memref<10000xi32, #tpu.memory_space<hbm>>) dst(%arg14 : memref<10000xi32, #tpu.memory_space<vmem>>)
      tpu.yield
    }) : () -> ()
    %broadcast_in_dim3A = arith.constant 0.000000e+00 : f32
    %broadcast_in_dim3A_3 = vector.broadcast %broadcast_in_dim3A : f32 to vector<16xf32>
    %scan3A = arith.constant 0 : i32
    %scan3A_4 = arith.constant 0 : i32
    %scan3A_5 = arith.constant 625 : i32
    %scan3A_6 = arith.addi %scan3A_4, %scan3A_5 : i32
    %scan3A_7 = arith.constant 1 : i32
    scf.for %scan3A_57 = %scan3A_4 to %scan3A_6 step %scan3A_7  : i32 {
      %mul3A_58 = arith.constant 16 : i32
      %mul3A_59 = arith.muli %scan3A_57, %mul3A_58 : i32
      %swap3A = arith.index_cast %mul3A_59 : i32 to index
      %swap3A_60 = tpu.vector_load %arg17[%swap3A] {strides = array<i32>} : memref<10000xf32, #tpu.memory_space<vmem>>, vector<16xf32>,
      tpu.vector_store %arg17[%swap3A], %broadcast_in_dim3A_3 {strides = array<i32>} : memref<10000xf32, #tpu.memory_space<vmem>>, vector<16xf32>,
    }
    %scan3A_8 = arith.constant 625 : i32
    %broadcast_in_dim3A_9 = arith.constant 1.000000e+00 : f32
    %broadcast_in_dim3A_10 = vector.broadcast %broadcast_in_dim3A_9 : f32 to vector<16xf32>
    %scan3A_11 = arith.constant 0 : i32
    %scan3A_12 = arith.constant 0 : i32
    %scan3A_13 = arith.constant 25 : i32
    %scan3A_14 = arith.addi %scan3A_12, %scan3A_13 : i32
    %scan3A_15 = arith.constant 1 : i32
    scf.for %scan3A_57 = %scan3A_12 to %scan3A_14 step %scan3A_15  : i32 {
      %mul3A_58 = arith.constant 400 : i32
      %mul3A_59 = arith.muli %scan3A_57, %mul3A_58 : i32
      %add3A_60 = arith.addi %mul3A_2, %mul3A_59 : i32
      %mul3A_61 = arith.constant 400 : i32
      %mul3A_62 = arith.muli %scan3A_57, %mul3A_61 : i32
      %add3A_63 = arith.constant 0 : i32
      %add3A_64 = arith.addi %mul3A_62, %add3A_63 : i32
      %dma_start3A = arith.constant 0 : i32
      %dma_start3A_65 = arith.constant 0 : i32
      %dma_start3A_66 = tpu.memref_slice %arg15[%dma_start3A, %dma_start3A_65] : memref<400x128xf32, #tpu.memory_space<vmem>> -> memref<80x128xf32, #tpu.memory_space<vmem>>
      %dma_start3A_67 = tpu.memref_slice %arg13[%add3A_64] : memref<10000xi32, #tpu.memory_space<vmem>> -> memref<80xi32, #tpu.memory_space<vmem>>
      %dma_start3A_68 = arith.constant 0 : i32
      %dma_start3A_69 = arith.constant 0 : i32
      %dma_start3A_70 = tpu.memref_slice %arg2[%dma_start3A_68, %dma_start3A_69] : memref<10000x128xf32, #tpu.memory_space<hbm>> -> memref<10000x128xf32, #tpu.memory_space<hbm>>
      tpu.enqueue_indirect_dma source(%dma_start3A_70 : memref<10000x128xf32, #tpu.memory_space<hbm>>) target(%dma_start3A_66 : memref<80x128xf32, #tpu.memory_space<vmem>>) offsets(%dma_start3A_67 : memref<80xi32, #tpu.memory_space<vmem>>) semaphore(%arg21 : memref<!tpu.dma_semaphore, #tpu.memory_space<semaphore_mem>>)
      %add3A_71 = arith.constant 80 : i32
      %add3A_72 = arith.addi %mul3A_62, %add3A_71 : i32
      %dma_start3A_73 = arith.constant 80 : i32
      %dma_start3A_74 = arith.constant 0 : i32
      %dma_start3A_75 = tpu.memref_slice %arg15[%dma_start3A_73, %dma_start3A_74] : memref<400x128xf32, #tpu.memory_space<vmem>> -> memref<80x128xf32, #tpu.memory_space<vmem>>
      %dma_start3A_76 = tpu.memref_slice %arg13[%add3A_72] : memref<10000xi32, #tpu.memory_space<vmem>> -> memref<80xi32, #tpu.memory_space<vmem>>
      %dma_start3A_77 = arith.constant 0 : i32
      %dma_start3A_78 = arith.constant 0 : i32
      %dma_start3A_79 = tpu.memref_slice %arg2[%dma_start3A_77, %dma_start3A_78] : memref<10000x128xf32, #tpu.memory_space<hbm>> -> memref<10000x128xf32, #tpu.memory_space<hbm>>
      tpu.enqueue_indirect_dma source(%dma_start3A_79 : memref<10000x128xf32, #tpu.memory_space<hbm>>) target(%dma_start3A_75 : memref<80x128xf32, #tpu.memory_space<vmem>>) offsets(%dma_start3A_76 : memref<80xi32, #tpu.memory_space<vmem>>) semaphore(%arg21 : memref<!tpu.dma_semaphore, #tpu.memory_space<semaphore_mem>>)
      %add3A_80 = arith.constant 160 : i32
      %add3A_81 = arith.addi %mul3A_62, %add3A_80 : i32
      %dma_start3A_82 = arith.constant 160 : i32
      %dma_start3A_83 = arith.constant 0 : i32
      %dma_start3A_84 = tpu.memref_slice %arg15[%dma_start3A_82, %dma_start3A_83] : memref<400x128xf32, #tpu.memory_space<vmem>> -> memref<80x128xf32, #tpu.memory_space<vmem>>
      %dma_start3A_85 = tpu.memref_slice %arg13[%add3A_81] : memref<10000xi32, #tpu.memory_space<vmem>> -> memref<80xi32, #tpu.memory_space<vmem>>
      %dma_start3A_86 = arith.constant 0 : i32
      %dma_start3A_87 = arith.constant 0 : i32
      %dma_start3A_88 = tpu.memref_slice %arg2[%dma_start3A_86, %dma_start3A_87] : memref<10000x128xf32, #tpu.memory_space<hbm>> -> memref<10000x128xf32, #tpu.memory_space<hbm>>
      tpu.enqueue_indirect_dma source(%dma_start3A_88 : memref<10000x128xf32, #tpu.memory_space<hbm>>) target(%dma_start3A_84 : memref<80x128xf32, #tpu.memory_space<vmem>>) offsets(%dma_start3A_85 : memref<80xi32, #tpu.memory_space<vmem>>) semaphore(%arg21 : memref<!tpu.dma_semaphore, #tpu.memory_space<semaphore_mem>>)
      %add3A_89 = arith.constant 240 : i32
      %add3A_90 = arith.addi %mul3A_62, %add3A_89 : i32
      %dma_start3A_91 = arith.constant 240 : i32
      %dma_start3A_92 = arith.constant 0 : i32
      %dma_start3A_93 = tpu.memref_slice %arg15[%dma_start3A_91, %dma_start3A_92] : memref<400x128xf32, #tpu.memory_space<vmem>> -> memref<80x128xf32, #tpu.memory_space<vmem>>
      %dma_start3A_94 = tpu.memref_slice %arg13[%add3A_90] : memref<10000xi32, #tpu.memory_space<vmem>> -> memref<80xi32, #tpu.memory_space<vmem>>
      %dma_start3A_95 = arith.constant 0 : i32
      %dma_start3A_96 = arith.constant 0 : i32
      %dma_start3A_97 = tpu.memref_slice %arg2[%dma_start3A_95, %dma_start3A_96] : memref<10000x128xf32, #tpu.memory_space<hbm>> -> memref<10000x128xf32, #tpu.memory_space<hbm>>
      tpu.enqueue_indirect_dma source(%dma_start3A_97 : memref<10000x128xf32, #tpu.memory_space<hbm>>) target(%dma_start3A_93 : memref<80x128xf32, #tpu.memory_space<vmem>>) offsets(%dma_start3A_94 : memref<80xi32, #tpu.memory_space<vmem>>) semaphore(%arg21 : memref<!tpu.dma_semaphore, #tpu.memory_space<semaphore_mem>>)
      %add3A_98 = arith.constant 320 : i32
      %add3A_99 = arith.addi %mul3A_62, %add3A_98 : i32
      %dma_start3A_100 = arith.constant 320 : i32
      %dma_start3A_101 = arith.constant 0 : i32
      %dma_start3A_102 = tpu.memref_slice %arg15[%dma_start3A_100, %dma_start3A_101] : memref<400x128xf32, #tpu.memory_space<vmem>> -> memref<80x128xf32, #tpu.memory_space<vmem>>
      %dma_start3A_103 = tpu.memref_slice %arg13[%add3A_99] : memref<10000xi32, #tpu.memory_space<vmem>> -> memref<80xi32, #tpu.memory_space<vmem>>
      %dma_start3A_104 = arith.constant 0 : i32
      %dma_start3A_105 = arith.constant 0 : i32
      %dma_start3A_106 = tpu.memref_slice %arg2[%dma_start3A_104, %dma_start3A_105] : memref<10000x128xf32, #tpu.memory_space<hbm>> -> memref<10000x128xf32, #tpu.memory_space<hbm>>
      tpu.enqueue_indirect_dma source(%dma_start3A_106 : memref<10000x128xf32, #tpu.memory_space<hbm>>) target(%dma_start3A_102 : memref<80x128xf32, #tpu.memory_space<vmem>>) offsets(%dma_start3A_103 : memref<80xi32, #tpu.memory_space<vmem>>) semaphore(%arg21 : memref<!tpu.dma_semaphore, #tpu.memory_space<semaphore_mem>>)
      %scan3A_107 = arith.constant 0 : i32
      %scan3A_108 = arith.constant 0 : i32
      %scan3A_109 = arith.constant 25 : i32
      %scan3A_110 = arith.addi %scan3A_108, %scan3A_109 : i32
      %scan3A_111 = arith.constant 1 : i32
      scf.for %scan3A_227 = %scan3A_108 to %scan3A_110 step %scan3A_111  : i32 {
        %mul3A_228 = arith.constant 16 : i32
        %mul3A_229 = arith.muli %scan3A_227, %mul3A_228 : i32
        %add3A_230 = arith.addi %mul3A_62, %mul3A_229 : i32
        %get3A = arith.index_cast %add3A_230 : i32 to index
        %get3A_231 = tpu.vector_load %arg13[%get3A] {strides = array<i32>} : memref<10000xi32, #tpu.memory_space<vmem>>, vector<16xi32>,
        %get3A_232 = arith.index_cast %add3A_230 : i32 to index
        %get3A_233 = tpu.vector_load %arg14[%get3A_232] {strides = array<i32>} : memref<10000xi32, #tpu.memory_space<vmem>>, vector<16xi32>,
        %gather3A = tpu.vector_load_idx %arg18[%get3A_231] : memref<10000xf32, #tpu.memory_space<vmem>>[vector<16xi32>], vector<16xf32>,
        %gather3A_234 = tpu.vector_load_idx %arg18[%get3A_233] : memref<10000xf32, #tpu.memory_space<vmem>>[vector<16xi32>], vector<16xf32>,
        %sub3A = arith.subf %gather3A, %gather3A_234 : vector<16xf32>
        %gather3A_235 = tpu.vector_load_idx %arg19[%get3A_231] : memref<10000xf32, #tpu.memory_space<vmem>>[vector<16xi32>], vector<16xf32>,
        %gather3A_236 = tpu.vector_load_idx %arg19[%get3A_233] : memref<10000xf32, #tpu.memory_space<vmem>>[vector<16xi32>], vector<16xf32>,
        %sub3A_237 = arith.subf %gather3A_235, %gather3A_236 : vector<16xf32>
        %gather3A_238 = tpu.vector_load_idx %arg20[%get3A_231] : memref<10000xf32, #tpu.memory_space<vmem>>[vector<16xi32>], vector<16xf32>,
        %gather3A_239 = tpu.vector_load_idx %arg20[%get3A_233] : memref<10000xf32, #tpu.memory_space<vmem>>[vector<16xi32>], vector<16xf32>,
        %sub3A_240 = arith.subf %gather3A_238, %gather3A_239 : vector<16xf32>
        %mul3A_241 = arith.mulf %sub3A, %sub3A : vector<16xf32>
        %mul3A_242 = arith.mulf %sub3A_237, %sub3A_237 : vector<16xf32>
        %add3A_243 = arith.addf %mul3A_241, %mul3A_242 : vector<16xf32>
        %mul3A_244 = arith.mulf %sub3A_240, %sub3A_240 : vector<16xf32>
        %add3A_245 = arith.addf %add3A_243, %mul3A_244 : vector<16xf32>
        %mul3A_246 = arith.constant 16 : i32
        %mul3A_247 = arith.muli %scan3A_227, %mul3A_246 : i32
        %swap3A = arith.index_cast %mul3A_247 : i32 to index
        %swap3A_248 = tpu.vector_load %arg16[%swap3A] {strides = array<i32>} : memref<400xf32, #tpu.memory_space<vmem>>, vector<16xf32>,
        tpu.vector_store %arg16[%swap3A], %add3A_245 {strides = array<i32>} : memref<400xf32, #tpu.memory_space<vmem>>, vector<16xf32>,
        tpu.vector_store_idx %arg17[%get3A_233], %broadcast_in_dim3A_10 {add = true} : memref<10000xf32, #tpu.memory_space<vmem>>[vector<16xi32>], vector<16xf32>,
      }
      %scan3A_112 = arith.constant 25 : i32
      "tpu.region"() ({
        %run_scoped3A = tpu.sem_alloc : memref<!tpu.dma_semaphore, #tpu.memory_space<semaphore_mem>>
        %dma_start3A_227 = tpu.memref_slice %arg11[%add3A_60] : memref<320000xf32, #tpu.memory_space<hbm>> -> memref<400xf32, #tpu.memory_space<hbm>>
        %dma_start3A_228 = tpu.memref_slice %arg11[%add3A_60] : memref<320000xf32, #tpu.memory_space<hbm>> -> memref<400xf32, #tpu.memory_space<hbm>>
        tpu.enqueue_dma source(%arg16 : memref<400xf32, #tpu.memory_space<vmem>>) target(%dma_start3A_228 : memref<400xf32, #tpu.memory_space<hbm>>) target_semaphore(%run_scoped3A : memref<!tpu.dma_semaphore, #tpu.memory_space<semaphore_mem>>)
        %dma_wait3A_229 = tpu.memref_slice %arg11[%add3A_60] : memref<320000xf32, #tpu.memory_space<hbm>> -> memref<400xf32, #tpu.memory_space<hbm>>
        %dma_wait3A_230 = tpu.memref_slice %arg11[%add3A_60] : memref<320000xf32, #tpu.memory_space<hbm>> -> memref<400xf32, #tpu.memory_space<hbm>>
        tpu.wait_dma2 semaphore(%run_scoped3A : memref<!tpu.dma_semaphore, #tpu.memory_space<semaphore_mem>>) src(%arg16 : memref<400xf32, #tpu.memory_space<vmem>>) dst(%dma_wait3A_230 : memref<400xf32, #tpu.memory_space<hbm>>)
        tpu.yield
      }) : () -> ()
      %dma_wait3A = arith.constant 0 : i32
      %dma_wait3A_113 = arith.constant 0 : i32
      %dma_wait3A_114 = tpu.memref_slice %arg15[%dma_wait3A, %dma_wait3A_113] : memref<400x128xf32, #tpu.memory_space<vmem>> -> memref<80x128xf32, #tpu.memory_space<vmem>>
      %dma_wait3A_115 = tpu.memref_slice %arg13[%add3A_64] : memref<10000xi32, #tpu.memory_space<vmem>> -> memref<80xi32, #tpu.memory_space<vmem>>
      %dma_wait3A_116 = arith.constant 0 : i32
      %dma_wait3A_117 = arith.constant 0 : i32
      %dma_wait3A_118 = tpu.memref_slice %arg2[%dma_wait3A_116, %dma_wait3A_117] : memref<10000x128xf32, #tpu.memory_space<hbm>> -> memref<10000x128xf32, #tpu.memory_space<hbm>>
      tpu.wait_indirect_dma semaphore(%arg21 : memref<!tpu.dma_semaphore, #tpu.memory_space<semaphore_mem>>) src(%dma_wait3A_118 : memref<10000x128xf32, #tpu.memory_space<hbm>>) dst(%dma_wait3A_114 : memref<80x128xf32, #tpu.memory_space<vmem>>)
      %dma_wait3A_119 = arith.constant 80 : i32
      %dma_wait3A_120 = arith.constant 0 : i32
      %dma_wait3A_121 = tpu.memref_slice %arg15[%dma_wait3A_119, %dma_wait3A_120] : memref<400x128xf32, #tpu.memory_space<vmem>> -> memref<80x128xf32, #tpu.memory_space<vmem>>
      %dma_wait3A_122 = tpu.memref_slice %arg13[%add3A_72] : memref<10000xi32, #tpu.memory_space<vmem>> -> memref<80xi32, #tpu.memory_space<vmem>>
      %dma_wait3A_123 = arith.constant 0 : i32
      %dma_wait3A_124 = arith.constant 0 : i32
      %dma_wait3A_125 = tpu.memref_slice %arg2[%dma_wait3A_123, %dma_wait3A_124] : memref<10000x128xf32, #tpu.memory_space<hbm>> -> memref<10000x128xf32, #tpu.memory_space<hbm>>
      tpu.wait_indirect_dma semaphore(%arg21 : memref<!tpu.dma_semaphore, #tpu.memory_space<semaphore_mem>>) src(%dma_wait3A_125 : memref<10000x128xf32, #tpu.memory_space<hbm>>) dst(%dma_wait3A_121 : memref<80x128xf32, #tpu.memory_space<vmem>>)
      %dma_wait3A_126 = arith.constant 160 : i32
      %dma_wait3A_127 = arith.constant 0 : i32
      %dma_wait3A_128 = tpu.memref_slice %arg15[%dma_wait3A_126, %dma_wait3A_127] : memref<400x128xf32, #tpu.memory_space<vmem>> -> memref<80x128xf32, #tpu.memory_space<vmem>>
      %dma_wait3A_129 = tpu.memref_slice %arg13[%add3A_81] : memref<10000xi32, #tpu.memory_space<vmem>> -> memref<80xi32, #tpu.memory_space<vmem>>
      %dma_wait3A_130 = arith.constant 0 : i32
      %dma_wait3A_131 = arith.constant 0 : i32
      %dma_wait3A_132 = tpu.memref_slice %arg2[%dma_wait3A_130, %dma_wait3A_131] : memref<10000x128xf32, #tpu.memory_space<hbm>> -> memref<10000x128xf32, #tpu.memory_space<hbm>>
      tpu.wait_indirect_dma semaphore(%arg21 : memref<!tpu.dma_semaphore, #tpu.memory_space<semaphore_mem>>) src(%dma_wait3A_132 : memref<10000x128xf32, #tpu.memory_space<hbm>>) dst(%dma_wait3A_128 : memref<80x128xf32, #tpu.memory_space<vmem>>)
      %dma_wait3A_133 = arith.constant 240 : i32
      %dma_wait3A_134 = arith.constant 0 : i32
      %dma_wait3A_135 = tpu.memref_slice %arg15[%dma_wait3A_133, %dma_wait3A_134] : memref<400x128xf32, #tpu.memory_space<vmem>> -> memref<80x128xf32, #tpu.memory_space<vmem>>
      %dma_wait3A_136 = tpu.memref_slice %arg13[%add3A_90] : memref<10000xi32, #tpu.memory_space<vmem>> -> memref<80xi32, #tpu.memory_space<vmem>>
      %dma_wait3A_137 = arith.constant 0 : i32
      %dma_wait3A_138 = arith.constant 0 : i32
      %dma_wait3A_139 = tpu.memref_slice %arg2[%dma_wait3A_137, %dma_wait3A_138] : memref<10000x128xf32, #tpu.memory_space<hbm>> -> memref<10000x128xf32, #tpu.memory_space<hbm>>
      tpu.wait_indirect_dma semaphore(%arg21 : memref<!tpu.dma_semaphore, #tpu.memory_space<semaphore_mem>>) src(%dma_wait3A_139 : memref<10000x128xf32, #tpu.memory_space<hbm>>) dst(%dma_wait3A_135 : memref<80x128xf32, #tpu.memory_space<vmem>>)
      %dma_wait3A_140 = arith.constant 320 : i32
      %dma_wait3A_141 = arith.constant 0 : i32
      %dma_wait3A_142 = tpu.memref_slice %arg15[%dma_wait3A_140, %dma_wait3A_141] : memref<400x128xf32, #tpu.memory_space<vmem>> -> memref<80x128xf32, #tpu.memory_space<vmem>>
      %dma_wait3A_143 = tpu.memref_slice %arg13[%add3A_99] : memref<10000xi32, #tpu.memory_space<vmem>> -> memref<80xi32, #tpu.memory_space<vmem>>
      %dma_wait3A_144 = arith.constant 0 : i32
      %dma_wait3A_145 = arith.constant 0 : i32
      %dma_wait3A_146 = tpu.memref_slice %arg2[%dma_wait3A_144, %dma_wait3A_145] : memref<10000x128xf32, #tpu.memory_space<hbm>> -> memref<10000x128xf32, #tpu.memory_space<hbm>>
      tpu.wait_indirect_dma semaphore(%arg21 : memref<!tpu.dma_semaphore, #tpu.memory_space<semaphore_mem>>) src(%dma_wait3A_146 : memref<10000x128xf32, #tpu.memory_space<hbm>>) dst(%dma_wait3A_142 : memref<80x128xf32, #tpu.memory_space<vmem>>)
      "tpu.region"() ({
        %run_scoped3A = tpu.sem_alloc : memref<!tpu.dma_semaphore, #tpu.memory_space<semaphore_mem>>
        %dma_start3A_227 = arith.constant 0 : i32
        %dma_start3A_228 = tpu.memref_slice %arg9[%add3A_60, %dma_start3A_227] : memref<320000x128xf32, #tpu.memory_space<hbm>> -> memref<400x128xf32, #tpu.memory_space<hbm>>
        %dma_start3A_229 = arith.constant 0 : i32
        %dma_start3A_230 = tpu.memref_slice %arg9[%add3A_60, %dma_start3A_229] : memref<320000x128xf32, #tpu.memory_space<hbm>> -> memref<400x128xf32, #tpu.memory_space<hbm>>
        tpu.enqueue_dma source(%arg15 : memref<400x128xf32, #tpu.memory_space<vmem>>) target(%dma_start3A_230 : memref<400x128xf32, #tpu.memory_space<hbm>>) target_semaphore(%run_scoped3A : memref<!tpu.dma_semaphore, #tpu.memory_space<semaphore_mem>>)
        %dma_wait3A_231 = arith.constant 0 : i32
        %dma_wait3A_232 = tpu.memref_slice %arg9[%add3A_60, %dma_wait3A_231] : memref<320000x128xf32, #tpu.memory_space<hbm>> -> memref<400x128xf32, #tpu.memory_space<hbm>>
        %dma_wait3A_233 = arith.constant 0 : i32
        %dma_wait3A_234 = tpu.memref_slice %arg9[%add3A_60, %dma_wait3A_233] : memref<320000x128xf32, #tpu.memory_space<hbm>> -> memref<400x128xf32, #tpu.memory_space<hbm>>
        tpu.wait_dma2 semaphore(%run_scoped3A : memref<!tpu.dma_semaphore, #tpu.memory_space<semaphore_mem>>) src(%arg15 : memref<400x128xf32, #tpu.memory_space<vmem>>) dst(%dma_wait3A_234 : memref<400x128xf32, #tpu.memory_space<hbm>>)
        tpu.yield
      }) : () -> ()
      %add3A_147 = arith.constant 0 : i32
      %add3A_148 = arith.addi %mul3A_62, %add3A_147 : i32
      %dma_start3A_149 = arith.constant 0 : i32
      %dma_start3A_150 = arith.constant 0 : i32
      %dma_start3A_151 = tpu.memref_slice %arg15[%dma_start3A_149, %dma_start3A_150] : memref<400x128xf32, #tpu.memory_space<vmem>> -> memref<80x128xf32, #tpu.memory_space<vmem>>
      %dma_start3A_152 = tpu.memref_slice %arg14[%add3A_148] : memref<10000xi32, #tpu.memory_space<vmem>> -> memref<80xi32, #tpu.memory_space<vmem>>
      %dma_start3A_153 = arith.constant 0 : i32
      %dma_start3A_154 = arith.constant 0 : i32
      %dma_start3A_155 = tpu.memref_slice %arg3[%dma_start3A_153, %dma_start3A_154] : memref<10000x128xf32, #tpu.memory_space<hbm>> -> memref<10000x128xf32, #tpu.memory_space<hbm>>
      tpu.enqueue_indirect_dma source(%dma_start3A_155 : memref<10000x128xf32, #tpu.memory_space<hbm>>) target(%dma_start3A_151 : memref<80x128xf32, #tpu.memory_space<vmem>>) offsets(%dma_start3A_152 : memref<80xi32, #tpu.memory_space<vmem>>) semaphore(%arg21 : memref<!tpu.dma_semaphore, #tpu.memory_space<semaphore_mem>>)
      %add3A_156 = arith.constant 80 : i32
      %add3A_157 = arith.addi %mul3A_62, %add3A_156 : i32
      %dma_start3A_158 = arith.constant 80 : i32
      %dma_start3A_159 = arith.constant 0 : i32
      %dma_start3A_160 = tpu.memref_slice %arg15[%dma_start3A_158, %dma_start3A_159] : memref<400x128xf32, #tpu.memory_space<vmem>> -> memref<80x128xf32, #tpu.memory_space<vmem>>
      %dma_start3A_161 = tpu.memref_slice %arg14[%add3A_157] : memref<10000xi32, #tpu.memory_space<vmem>> -> memref<80xi32, #tpu.memory_space<vmem>>
      %dma_start3A_162 = arith.constant 0 : i32
      %dma_start3A_163 = arith.constant 0 : i32
      %dma_start3A_164 = tpu.memref_slice %arg3[%dma_start3A_162, %dma_start3A_163] : memref<10000x128xf32, #tpu.memory_space<hbm>> -> memref<10000x128xf32, #tpu.memory_space<hbm>>
      tpu.enqueue_indirect_dma source(%dma_start3A_164 : memref<10000x128xf32, #tpu.memory_space<hbm>>) target(%dma_start3A_160 : memref<80x128xf32, #tpu.memory_space<vmem>>) offsets(%dma_start3A_161 : memref<80xi32, #tpu.memory_space<vmem>>) semaphore(%arg21 : memref<!tpu.dma_semaphore, #tpu.memory_space<semaphore_mem>>)
      %add3A_165 = arith.constant 160 : i32
      %add3A_166 = arith.addi %mul3A_62, %add3A_165 : i32
      %dma_start3A_167 = arith.constant 160 : i32
      %dma_start3A_168 = arith.constant 0 : i32
      %dma_start3A_169 = tpu.memref_slice %arg15[%dma_start3A_167, %dma_start3A_168] : memref<400x128xf32, #tpu.memory_space<vmem>> -> memref<80x128xf32, #tpu.memory_space<vmem>>
      %dma_start3A_170 = tpu.memref_slice %arg14[%add3A_166] : memref<10000xi32, #tpu.memory_space<vmem>> -> memref<80xi32, #tpu.memory_space<vmem>>
      %dma_start3A_171 = arith.constant 0 : i32
      %dma_start3A_172 = arith.constant 0 : i32
      %dma_start3A_173 = tpu.memref_slice %arg3[%dma_start3A_171, %dma_start3A_172] : memref<10000x128xf32, #tpu.memory_space<hbm>> -> memref<10000x128xf32, #tpu.memory_space<hbm>>
      tpu.enqueue_indirect_dma source(%dma_start3A_173 : memref<10000x128xf32, #tpu.memory_space<hbm>>) target(%dma_start3A_169 : memref<80x128xf32, #tpu.memory_space<vmem>>) offsets(%dma_start3A_170 : memref<80xi32, #tpu.memory_space<vmem>>) semaphore(%arg21 : memref<!tpu.dma_semaphore, #tpu.memory_space<semaphore_mem>>)
      %add3A_174 = arith.constant 240 : i32
      %add3A_175 = arith.addi %mul3A_62, %add3A_174 : i32
      %dma_start3A_176 = arith.constant 240 : i32
      %dma_start3A_177 = arith.constant 0 : i32
      %dma_start3A_178 = tpu.memref_slice %arg15[%dma_start3A_176, %dma_start3A_177] : memref<400x128xf32, #tpu.memory_space<vmem>> -> memref<80x128xf32, #tpu.memory_space<vmem>>
      %dma_start3A_179 = tpu.memref_slice %arg14[%add3A_175] : memref<10000xi32, #tpu.memory_space<vmem>> -> memref<80xi32, #tpu.memory_space<vmem>>
      %dma_start3A_180 = arith.constant 0 : i32
      %dma_start3A_181 = arith.constant 0 : i32
      %dma_start3A_182 = tpu.memref_slice %arg3[%dma_start3A_180, %dma_start3A_181] : memref<10000x128xf32, #tpu.memory_space<hbm>> -> memref<10000x128xf32, #tpu.memory_space<hbm>>
      tpu.enqueue_indirect_dma source(%dma_start3A_182 : memref<10000x128xf32, #tpu.memory_space<hbm>>) target(%dma_start3A_178 : memref<80x128xf32, #tpu.memory_space<vmem>>) offsets(%dma_start3A_179 : memref<80xi32, #tpu.memory_space<vmem>>) semaphore(%arg21 : memref<!tpu.dma_semaphore, #tpu.memory_space<semaphore_mem>>)
      %add3A_183 = arith.constant 320 : i32
      %add3A_184 = arith.addi %mul3A_62, %add3A_183 : i32
      %dma_start3A_185 = arith.constant 320 : i32
      %dma_start3A_186 = arith.constant 0 : i32
      %dma_start3A_187 = tpu.memref_slice %arg15[%dma_start3A_185, %dma_start3A_186] : memref<400x128xf32, #tpu.memory_space<vmem>> -> memref<80x128xf32, #tpu.memory_space<vmem>>
      %dma_start3A_188 = tpu.memref_slice %arg14[%add3A_184] : memref<10000xi32, #tpu.memory_space<vmem>> -> memref<80xi32, #tpu.memory_space<vmem>>
      %dma_start3A_189 = arith.constant 0 : i32
      %dma_start3A_190 = arith.constant 0 : i32
      %dma_start3A_191 = tpu.memref_slice %arg3[%dma_start3A_189, %dma_start3A_190] : memref<10000x128xf32, #tpu.memory_space<hbm>> -> memref<10000x128xf32, #tpu.memory_space<hbm>>
      tpu.enqueue_indirect_dma source(%dma_start3A_191 : memref<10000x128xf32, #tpu.memory_space<hbm>>) target(%dma_start3A_187 : memref<80x128xf32, #tpu.memory_space<vmem>>) offsets(%dma_start3A_188 : memref<80xi32, #tpu.memory_space<vmem>>) semaphore(%arg21 : memref<!tpu.dma_semaphore, #tpu.memory_space<semaphore_mem>>)
      %dma_wait3A_192 = arith.constant 0 : i32
      %dma_wait3A_193 = arith.constant 0 : i32
      %dma_wait3A_194 = tpu.memref_slice %arg15[%dma_wait3A_192, %dma_wait3A_193] : memref<400x128xf32, #tpu.memory_space<vmem>> -> memref<80x128xf32, #tpu.memory_space<vmem>>
      %dma_wait3A_195 = tpu.memref_slice %arg14[%add3A_148] : memref<10000xi32, #tpu.memory_space<vmem>> -> memref<80xi32, #tpu.memory_space<vmem>>
      %dma_wait3A_196 = arith.constant 0 : i32
      %dma_wait3A_197 = arith.constant 0 : i32
      %dma_wait3A_198 = tpu.memref_slice %arg3[%dma_wait3A_196, %dma_wait3A_197] : memref<10000x128xf32, #tpu.memory_space<hbm>> -> memref<10000x128xf32, #tpu.memory_space<hbm>>
      tpu.wait_indirect_dma semaphore(%arg21 : memref<!tpu.dma_semaphore, #tpu.memory_space<semaphore_mem>>) src(%dma_wait3A_198 : memref<10000x128xf32, #tpu.memory_space<hbm>>) dst(%dma_wait3A_194 : memref<80x128xf32, #tpu.memory_space<vmem>>)
      %dma_wait3A_199 = arith.constant 80 : i32
      %dma_wait3A_200 = arith.constant 0 : i32
      %dma_wait3A_201 = tpu.memref_slice %arg15[%dma_wait3A_199, %dma_wait3A_200] : memref<400x128xf32, #tpu.memory_space<vmem>> -> memref<80x128xf32, #tpu.memory_space<vmem>>
      %dma_wait3A_202 = tpu.memref_slice %arg14[%add3A_157] : memref<10000xi32, #tpu.memory_space<vmem>> -> memref<80xi32, #tpu.memory_space<vmem>>
      %dma_wait3A_203 = arith.constant 0 : i32
      %dma_wait3A_204 = arith.constant 0 : i32
      %dma_wait3A_205 = tpu.memref_slice %arg3[%dma_wait3A_203, %dma_wait3A_204] : memref<10000x128xf32, #tpu.memory_space<hbm>> -> memref<10000x128xf32, #tpu.memory_space<hbm>>
      tpu.wait_indirect_dma semaphore(%arg21 : memref<!tpu.dma_semaphore, #tpu.memory_space<semaphore_mem>>) src(%dma_wait3A_205 : memref<10000x128xf32, #tpu.memory_space<hbm>>) dst(%dma_wait3A_201 : memref<80x128xf32, #tpu.memory_space<vmem>>)
      %dma_wait3A_206 = arith.constant 160 : i32
      %dma_wait3A_207 = arith.constant 0 : i32
      %dma_wait3A_208 = tpu.memref_slice %arg15[%dma_wait3A_206, %dma_wait3A_207] : memref<400x128xf32, #tpu.memory_space<vmem>> -> memref<80x128xf32, #tpu.memory_space<vmem>>
      %dma_wait3A_209 = tpu.memref_slice %arg14[%add3A_166] : memref<10000xi32, #tpu.memory_space<vmem>> -> memref<80xi32, #tpu.memory_space<vmem>>
      %dma_wait3A_210 = arith.constant 0 : i32
      %dma_wait3A_211 = arith.constant 0 : i32
      %dma_wait3A_212 = tpu.memref_slice %arg3[%dma_wait3A_210, %dma_wait3A_211] : memref<10000x128xf32, #tpu.memory_space<hbm>> -> memref<10000x128xf32, #tpu.memory_space<hbm>>
      tpu.wait_indirect_dma semaphore(%arg21 : memref<!tpu.dma_semaphore, #tpu.memory_space<semaphore_mem>>) src(%dma_wait3A_212 : memref<10000x128xf32, #tpu.memory_space<hbm>>) dst(%dma_wait3A_208 : memref<80x128xf32, #tpu.memory_space<vmem>>)
      %dma_wait3A_213 = arith.constant 240 : i32
      %dma_wait3A_214 = arith.constant 0 : i32
      %dma_wait3A_215 = tpu.memref_slice %arg15[%dma_wait3A_213, %dma_wait3A_214] : memref<400x128xf32, #tpu.memory_space<vmem>> -> memref<80x128xf32, #tpu.memory_space<vmem>>
      %dma_wait3A_216 = tpu.memref_slice %arg14[%add3A_175] : memref<10000xi32, #tpu.memory_space<vmem>> -> memref<80xi32, #tpu.memory_space<vmem>>
      %dma_wait3A_217 = arith.constant 0 : i32
      %dma_wait3A_218 = arith.constant 0 : i32
      %dma_wait3A_219 = tpu.memref_slice %arg3[%dma_wait3A_217, %dma_wait3A_218] : memref<10000x128xf32, #tpu.memory_space<hbm>> -> memref<10000x128xf32, #tpu.memory_space<hbm>>
      tpu.wait_indirect_dma semaphore(%arg21 : memref<!tpu.dma_semaphore, #tpu.memory_space<semaphore_mem>>) src(%dma_wait3A_219 : memref<10000x128xf32, #tpu.memory_space<hbm>>) dst(%dma_wait3A_215 : memref<80x128xf32, #tpu.memory_space<vmem>>)
      %dma_wait3A_220 = arith.constant 320 : i32
      %dma_wait3A_221 = arith.constant 0 : i32
      %dma_wait3A_222 = tpu.memref_slice %arg15[%dma_wait3A_220, %dma_wait3A_221] : memref<400x128xf32, #tpu.memory_space<vmem>> -> memref<80x128xf32, #tpu.memory_space<vmem>>
      %dma_wait3A_223 = tpu.memref_slice %arg14[%add3A_184] : memref<10000xi32, #tpu.memory_space<vmem>> -> memref<80xi32, #tpu.memory_space<vmem>>
      %dma_wait3A_224 = arith.constant 0 : i32
      %dma_wait3A_225 = arith.constant 0 : i32
      %dma_wait3A_226 = tpu.memref_slice %arg3[%dma_wait3A_224, %dma_wait3A_225] : memref<10000x128xf32, #tpu.memory_space<hbm>> -> memref<10000x128xf32, #tpu.memory_space<hbm>>
      tpu.wait_indirect_dma semaphore(%arg21 : memref<!tpu.dma_semaphore, #tpu.memory_space<semaphore_mem>>) src(%dma_wait3A_226 : memref<10000x128xf32, #tpu.memory_space<hbm>>) dst(%dma_wait3A_222 : memref<80x128xf32, #tpu.memory_space<vmem>>)
      "tpu.region"() ({
        %run_scoped3A = tpu.sem_alloc : memref<!tpu.dma_semaphore, #tpu.memory_space<semaphore_mem>>
        %dma_start3A_227 = arith.constant 0 : i32
        %dma_start3A_228 = tpu.memref_slice %arg10[%add3A_60, %dma_start3A_227] : memref<320000x128xf32, #tpu.memory_space<hbm>> -> memref<400x128xf32, #tpu.memory_space<hbm>>
        %dma_start3A_229 = arith.constant 0 : i32
        %dma_start3A_230 = tpu.memref_slice %arg10[%add3A_60, %dma_start3A_229] : memref<320000x128xf32, #tpu.memory_space<hbm>> -> memref<400x128xf32, #tpu.memory_space<hbm>>
        tpu.enqueue_dma source(%arg15 : memref<400x128xf32, #tpu.memory_space<vmem>>) target(%dma_start3A_230 : memref<400x128xf32, #tpu.memory_space<hbm>>) target_semaphore(%run_scoped3A : memref<!tpu.dma_semaphore, #tpu.memory_space<semaphore_mem>>)
        %dma_wait3A_231 = arith.constant 0 : i32
        %dma_wait3A_232 = tpu.memref_slice %arg10[%add3A_60, %dma_wait3A_231] : memref<320000x128xf32, #tpu.memory_space<hbm>> -> memref<400x128xf32, #tpu.memory_space<hbm>>
        %dma_wait3A_233 = arith.constant 0 : i32
        %dma_wait3A_234 = tpu.memref_slice %arg10[%add3A_60, %dma_wait3A_233] : memref<320000x128xf32, #tpu.memory_space<hbm>> -> memref<400x128xf32, #tpu.memory_space<hbm>>
        tpu.wait_dma2 semaphore(%run_scoped3A : memref<!tpu.dma_semaphore, #tpu.memory_space<semaphore_mem>>) src(%arg15 : memref<400x128xf32, #tpu.memory_space<vmem>>) dst(%dma_wait3A_234 : memref<400x128xf32, #tpu.memory_space<hbm>>)
        tpu.yield
      }) : () -> ()
    }
    %scan3A_16 = arith.constant 25 : i32
    %add3A_17 = arith.constant 0 : i32
    %add3A_18 = arith.addi %add3A_17, %add3A : i32
    %mul3A_19 = arith.constant 1000 : i32
    %mul3A_20 = arith.muli %add3A_18, %mul3A_19 : i32
    "tpu.region"() ({
      %run_scoped3A = tpu.sem_alloc : memref<!tpu.dma_semaphore, #tpu.memory_space<semaphore_mem>>
      %dma_start3A = arith.constant 0 : i32
      %dma_start3A_57 = tpu.memref_slice %arg17[%dma_start3A] : memref<10000xf32, #tpu.memory_space<vmem>> -> memref<1000xf32, #tpu.memory_space<vmem>>
      %dma_start3A_58 = tpu.memref_slice %arg12[%mul3A_20] : memref<320000xf32, #tpu.memory_space<hbm>> -> memref<1000xf32, #tpu.memory_space<hbm>>
      %dma_start3A_59 = tpu.memref_slice %arg12[%mul3A_20] : memref<320000xf32, #tpu.memory_space<hbm>> -> memref<1000xf32, #tpu.memory_space<hbm>>
      %dma_start3A_60 = arith.constant 0 : i32
      %dma_start3A_61 = tpu.memref_slice %arg17[%dma_start3A_60] : memref<10000xf32, #tpu.memory_space<vmem>> -> memref<1000xf32, #tpu.memory_space<vmem>>
      tpu.enqueue_dma source(%dma_start3A_61 : memref<1000xf32, #tpu.memory_space<vmem>>) target(%dma_start3A_59 : memref<1000xf32, #tpu.memory_space<hbm>>) target_semaphore(%run_scoped3A : memref<!tpu.dma_semaphore, #tpu.memory_space<semaphore_mem>>)
      %dma_wait3A = arith.constant 0 : i32
      %dma_wait3A_62 = tpu.memref_slice %arg17[%dma_wait3A] : memref<10000xf32, #tpu.memory_space<vmem>> -> memref<1000xf32, #tpu.memory_space<vmem>>
      %dma_wait3A_63 = tpu.memref_slice %arg12[%mul3A_20] : memref<320000xf32, #tpu.memory_space<hbm>> -> memref<1000xf32, #tpu.memory_space<hbm>>
      %dma_wait3A_64 = tpu.memref_slice %arg12[%mul3A_20] : memref<320000xf32, #tpu.memory_space<hbm>> -> memref<1000xf32, #tpu.memory_space<hbm>>
      %dma_wait3A_65 = arith.constant 0 : i32
      %dma_wait3A_66 = tpu.memref_slice %arg17[%dma_wait3A_65] : memref<10000xf32, #tpu.memory_space<vmem>> -> memref<1000xf32, #tpu.memory_space<vmem>>
      tpu.wait_dma2 semaphore(%run_scoped3A : memref<!tpu.dma_semaphore, #tpu.memory_space<semaphore_mem>>) src(%dma_wait3A_66 : memref<1000xf32, #tpu.memory_space<vmem>>) dst(%dma_wait3A_64 : memref<1000xf32, #tpu.memory_space<hbm>>)
      tpu.yield
    }) : () -> ()
    %add3A_21 = arith.constant 32 : i32
    %add3A_22 = arith.addi %add3A_21, %add3A : i32
    %mul3A_23 = arith.constant 1000 : i32
    %mul3A_24 = arith.muli %add3A_22, %mul3A_23 : i32
    "tpu.region"() ({
      %run_scoped3A = tpu.sem_alloc : memref<!tpu.dma_semaphore, #tpu.memory_space<semaphore_mem>>
      %dma_start3A = arith.constant 1000 : i32
      %dma_start3A_57 = tpu.memref_slice %arg17[%dma_start3A] : memref<10000xf32, #tpu.memory_space<vmem>> -> memref<1000xf32, #tpu.memory_space<vmem>>
      %dma_start3A_58 = tpu.memref_slice %arg12[%mul3A_24] : memref<320000xf32, #tpu.memory_space<hbm>> -> memref<1000xf32, #tpu.memory_space<hbm>>
      %dma_start3A_59 = tpu.memref_slice %arg12[%mul3A_24] : memref<320000xf32, #tpu.memory_space<hbm>> -> memref<1000xf32, #tpu.memory_space<hbm>>
      %dma_start3A_60 = arith.constant 1000 : i32
      %dma_start3A_61 = tpu.memref_slice %arg17[%dma_start3A_60] : memref<10000xf32, #tpu.memory_space<vmem>> -> memref<1000xf32, #tpu.memory_space<vmem>>
      tpu.enqueue_dma source(%dma_start3A_61 : memref<1000xf32, #tpu.memory_space<vmem>>) target(%dma_start3A_59 : memref<1000xf32, #tpu.memory_space<hbm>>) target_semaphore(%run_scoped3A : memref<!tpu.dma_semaphore, #tpu.memory_space<semaphore_mem>>)
      %dma_wait3A = arith.constant 1000 : i32
      %dma_wait3A_62 = tpu.memref_slice %arg17[%dma_wait3A] : memref<10000xf32, #tpu.memory_space<vmem>> -> memref<1000xf32, #tpu.memory_space<vmem>>
      %dma_wait3A_63 = tpu.memref_slice %arg12[%mul3A_24] : memref<320000xf32, #tpu.memory_space<hbm>> -> memref<1000xf32, #tpu.memory_space<hbm>>
      %dma_wait3A_64 = tpu.memref_slice %arg12[%mul3A_24] : memref<320000xf32, #tpu.memory_space<hbm>> -> memref<1000xf32, #tpu.memory_space<hbm>>
      %dma_wait3A_65 = arith.constant 1000 : i32
      %dma_wait3A_66 = tpu.memref_slice %arg17[%dma_wait3A_65] : memref<10000xf32, #tpu.memory_space<vmem>> -> memref<1000xf32, #tpu.memory_space<vmem>>
      tpu.wait_dma2 semaphore(%run_scoped3A : memref<!tpu.dma_semaphore, #tpu.memory_space<semaphore_mem>>) src(%dma_wait3A_66 : memref<1000xf32, #tpu.memory_space<vmem>>) dst(%dma_wait3A_64 : memref<1000xf32, #tpu.memory_space<hbm>>)
      tpu.yield
    }) : () -> ()
    %add3A_25 = arith.constant 64 : i32
    %add3A_26 = arith.addi %add3A_25, %add3A : i32
    %mul3A_27 = arith.constant 1000 : i32
    %mul3A_28 = arith.muli %add3A_26, %mul3A_27 : i32
    "tpu.region"() ({
      %run_scoped3A = tpu.sem_alloc : memref<!tpu.dma_semaphore, #tpu.memory_space<semaphore_mem>>
      %dma_start3A = arith.constant 2000 : i32
      %dma_start3A_57 = tpu.memref_slice %arg17[%dma_start3A] : memref<10000xf32, #tpu.memory_space<vmem>> -> memref<1000xf32, #tpu.memory_space<vmem>>
      %dma_start3A_58 = tpu.memref_slice %arg12[%mul3A_28] : memref<320000xf32, #tpu.memory_space<hbm>> -> memref<1000xf32, #tpu.memory_space<hbm>>
      %dma_start3A_59 = tpu.memref_slice %arg12[%mul3A_28] : memref<320000xf32, #tpu.memory_space<hbm>> -> memref<1000xf32, #tpu.memory_space<hbm>>
      %dma_start3A_60 = arith.constant 2000 : i32
      %dma_start3A_61 = tpu.memref_slice %arg17[%dma_start3A_60] : memref<10000xf32, #tpu.memory_space<vmem>> -> memref<1000xf32, #tpu.memory_space<vmem>>
      tpu.enqueue_dma source(%dma_start3A_61 : memref<1000xf32, #tpu.memory_space<vmem>>) target(%dma_start3A_59 : memref<1000xf32, #tpu.memory_space<hbm>>) target_semaphore(%run_scoped3A : memref<!tpu.dma_semaphore, #tpu.memory_space<semaphore_mem>>)
      %dma_wait3A = arith.constant 2000 : i32
      %dma_wait3A_62 = tpu.memref_slice %arg17[%dma_wait3A] : memref<10000xf32, #tpu.memory_space<vmem>> -> memref<1000xf32, #tpu.memory_space<vmem>>
      %dma_wait3A_63 = tpu.memref_slice %arg12[%mul3A_28] : memref<320000xf32, #tpu.memory_space<hbm>> -> memref<1000xf32, #tpu.memory_space<hbm>>
      %dma_wait3A_64 = tpu.memref_slice %arg12[%mul3A_28] : memref<320000xf32, #tpu.memory_space<hbm>> -> memref<1000xf32, #tpu.memory_space<hbm>>
      %dma_wait3A_65 = arith.constant 2000 : i32
      %dma_wait3A_66 = tpu.memref_slice %arg17[%dma_wait3A_65] : memref<10000xf32, #tpu.memory_space<vmem>> -> memref<1000xf32, #tpu.memory_space<vmem>>
      tpu.wait_dma2 semaphore(%run_scoped3A : memref<!tpu.dma_semaphore, #tpu.memory_space<semaphore_mem>>) src(%dma_wait3A_66 : memref<1000xf32, #tpu.memory_space<vmem>>) dst(%dma_wait3A_64 : memref<1000xf32, #tpu.memory_space<hbm>>)
      tpu.yield
    }) : () -> ()
    %add3A_29 = arith.constant 96 : i32
    %add3A_30 = arith.addi %add3A_29, %add3A : i32
    %mul3A_31 = arith.constant 1000 : i32
    %mul3A_32 = arith.muli %add3A_30, %mul3A_31 : i32
    "tpu.region"() ({
      %run_scoped3A = tpu.sem_alloc : memref<!tpu.dma_semaphore, #tpu.memory_space<semaphore_mem>>
      %dma_start3A = arith.constant 3000 : i32
      %dma_start3A_57 = tpu.memref_slice %arg17[%dma_start3A] : memref<10000xf32, #tpu.memory_space<vmem>> -> memref<1000xf32, #tpu.memory_space<vmem>>
      %dma_start3A_58 = tpu.memref_slice %arg12[%mul3A_32] : memref<320000xf32, #tpu.memory_space<hbm>> -> memref<1000xf32, #tpu.memory_space<hbm>>
      %dma_start3A_59 = tpu.memref_slice %arg12[%mul3A_32] : memref<320000xf32, #tpu.memory_space<hbm>> -> memref<1000xf32, #tpu.memory_space<hbm>>
      %dma_start3A_60 = arith.constant 3000 : i32
      %dma_start3A_61 = tpu.memref_slice %arg17[%dma_start3A_60] : memref<10000xf32, #tpu.memory_space<vmem>> -> memref<1000xf32, #tpu.memory_space<vmem>>
      tpu.enqueue_dma source(%dma_start3A_61 : memref<1000xf32, #tpu.memory_space<vmem>>) target(%dma_start3A_59 : memref<1000xf32, #tpu.memory_space<hbm>>) target_semaphore(%run_scoped3A : memref<!tpu.dma_semaphore, #tpu.memory_space<semaphore_mem>>)
      %dma_wait3A = arith.constant 3000 : i32
      %dma_wait3A_62 = tpu.memref_slice %arg17[%dma_wait3A] : memref<10000xf32, #tpu.memory_space<vmem>> -> memref<1000xf32, #tpu.memory_space<vmem>>
      %dma_wait3A_63 = tpu.memref_slice %arg12[%mul3A_32] : memref<320000xf32, #tpu.memory_space<hbm>> -> memref<1000xf32, #tpu.memory_space<hbm>>
      %dma_wait3A_64 = tpu.memref_slice %arg12[%mul3A_32] : memref<320000xf32, #tpu.memory_space<hbm>> -> memref<1000xf32, #tpu.memory_space<hbm>>
      %dma_wait3A_65 = arith.constant 3000 : i32
      %dma_wait3A_66 = tpu.memref_slice %arg17[%dma_wait3A_65] : memref<10000xf32, #tpu.memory_space<vmem>> -> memref<1000xf32, #tpu.memory_space<vmem>>
      tpu.wait_dma2 semaphore(%run_scoped3A : memref<!tpu.dma_semaphore, #tpu.memory_space<semaphore_mem>>) src(%dma_wait3A_66 : memref<1000xf32, #tpu.memory_space<vmem>>) dst(%dma_wait3A_64 : memref<1000xf32, #tpu.memory_space<hbm>>)
      tpu.yield
    }) : () -> ()
    %add3A_33 = arith.constant 128 : i32
    %add3A_34 = arith.addi %add3A_33, %add3A : i32
    %mul3A_35 = arith.constant 1000 : i32
    %mul3A_36 = arith.muli %add3A_34, %mul3A_35 : i32
    "tpu.region"() ({
      %run_scoped3A = tpu.sem_alloc : memref<!tpu.dma_semaphore, #tpu.memory_space<semaphore_mem>>
      %dma_start3A = arith.constant 4000 : i32
      %dma_start3A_57 = tpu.memref_slice %arg17[%dma_start3A] : memref<10000xf32, #tpu.memory_space<vmem>> -> memref<1000xf32, #tpu.memory_space<vmem>>
      %dma_start3A_58 = tpu.memref_slice %arg12[%mul3A_36] : memref<320000xf32, #tpu.memory_space<hbm>> -> memref<1000xf32, #tpu.memory_space<hbm>>
      %dma_start3A_59 = tpu.memref_slice %arg12[%mul3A_36] : memref<320000xf32, #tpu.memory_space<hbm>> -> memref<1000xf32, #tpu.memory_space<hbm>>
      %dma_start3A_60 = arith.constant 4000 : i32
      %dma_start3A_61 = tpu.memref_slice %arg17[%dma_start3A_60] : memref<10000xf32, #tpu.memory_space<vmem>> -> memref<1000xf32, #tpu.memory_space<vmem>>
      tpu.enqueue_dma source(%dma_start3A_61 : memref<1000xf32, #tpu.memory_space<vmem>>) target(%dma_start3A_59 : memref<1000xf32, #tpu.memory_space<hbm>>) target_semaphore(%run_scoped3A : memref<!tpu.dma_semaphore, #tpu.memory_space<semaphore_mem>>)
      %dma_wait3A = arith.constant 4000 : i32
      %dma_wait3A_62 = tpu.memref_slice %arg17[%dma_wait3A] : memref<10000xf32, #tpu.memory_space<vmem>> -> memref<1000xf32, #tpu.memory_space<vmem>>
      %dma_wait3A_63 = tpu.memref_slice %arg12[%mul3A_36] : memref<320000xf32, #tpu.memory_space<hbm>> -> memref<1000xf32, #tpu.memory_space<hbm>>
      %dma_wait3A_64 = tpu.memref_slice %arg12[%mul3A_36] : memref<320000xf32, #tpu.memory_space<hbm>> -> memref<1000xf32, #tpu.memory_space<hbm>>
      %dma_wait3A_65 = arith.constant 4000 : i32
      %dma_wait3A_66 = tpu.memref_slice %arg17[%dma_wait3A_65] : memref<10000xf32, #tpu.memory_space<vmem>> -> memref<1000xf32, #tpu.memory_space<vmem>>
      tpu.wait_dma2 semaphore(%run_scoped3A : memref<!tpu.dma_semaphore, #tpu.memory_space<semaphore_mem>>) src(%dma_wait3A_66 : memref<1000xf32, #tpu.memory_space<vmem>>) dst(%dma_wait3A_64 : memref<1000xf32, #tpu.memory_space<hbm>>)
      tpu.yield
    }) : () -> ()
    %add3A_37 = arith.constant 160 : i32
    %add3A_38 = arith.addi %add3A_37, %add3A : i32
    %mul3A_39 = arith.constant 1000 : i32
    %mul3A_40 = arith.muli %add3A_38, %mul3A_39 : i32
    "tpu.region"() ({
      %run_scoped3A = tpu.sem_alloc : memref<!tpu.dma_semaphore, #tpu.memory_space<semaphore_mem>>
      %dma_start3A = arith.constant 5000 : i32
      %dma_start3A_57 = tpu.memref_slice %arg17[%dma_start3A] : memref<10000xf32, #tpu.memory_space<vmem>> -> memref<1000xf32, #tpu.memory_space<vmem>>
      %dma_start3A_58 = tpu.memref_slice %arg12[%mul3A_40] : memref<320000xf32, #tpu.memory_space<hbm>> -> memref<1000xf32, #tpu.memory_space<hbm>>
      %dma_start3A_59 = tpu.memref_slice %arg12[%mul3A_40] : memref<320000xf32, #tpu.memory_space<hbm>> -> memref<1000xf32, #tpu.memory_space<hbm>>
      %dma_start3A_60 = arith.constant 5000 : i32
      %dma_start3A_61 = tpu.memref_slice %arg17[%dma_start3A_60] : memref<10000xf32, #tpu.memory_space<vmem>> -> memref<1000xf32, #tpu.memory_space<vmem>>
      tpu.enqueue_dma source(%dma_start3A_61 : memref<1000xf32, #tpu.memory_space<vmem>>) target(%dma_start3A_59 : memref<1000xf32, #tpu.memory_space<hbm>>) target_semaphore(%run_scoped3A : memref<!tpu.dma_semaphore, #tpu.memory_space<semaphore_mem>>)
      %dma_wait3A = arith.constant 5000 : i32
      %dma_wait3A_62 = tpu.memref_slice %arg17[%dma_wait3A] : memref<10000xf32, #tpu.memory_space<vmem>> -> memref<1000xf32, #tpu.memory_space<vmem>>
      %dma_wait3A_63 = tpu.memref_slice %arg12[%mul3A_40] : memref<320000xf32, #tpu.memory_space<hbm>> -> memref<1000xf32, #tpu.memory_space<hbm>>
      %dma_wait3A_64 = tpu.memref_slice %arg12[%mul3A_40] : memref<320000xf32, #tpu.memory_space<hbm>> -> memref<1000xf32, #tpu.memory_space<hbm>>
      %dma_wait3A_65 = arith.constant 5000 : i32
      %dma_wait3A_66 = tpu.memref_slice %arg17[%dma_wait3A_65] : memref<10000xf32, #tpu.memory_space<vmem>> -> memref<1000xf32, #tpu.memory_space<vmem>>
      tpu.wait_dma2 semaphore(%run_scoped3A : memref<!tpu.dma_semaphore, #tpu.memory_space<semaphore_mem>>) src(%dma_wait3A_66 : memref<1000xf32, #tpu.memory_space<vmem>>) dst(%dma_wait3A_64 : memref<1000xf32, #tpu.memory_space<hbm>>)
      tpu.yield
    }) : () -> ()
    %add3A_41 = arith.constant 192 : i32
    %add3A_42 = arith.addi %add3A_41, %add3A : i32
    %mul3A_43 = arith.constant 1000 : i32
    %mul3A_44 = arith.muli %add3A_42, %mul3A_43 : i32
    "tpu.region"() ({
      %run_scoped3A = tpu.sem_alloc : memref<!tpu.dma_semaphore, #tpu.memory_space<semaphore_mem>>
      %dma_start3A = arith.constant 6000 : i32
      %dma_start3A_57 = tpu.memref_slice %arg17[%dma_start3A] : memref<10000xf32, #tpu.memory_space<vmem>> -> memref<1000xf32, #tpu.memory_space<vmem>>
      %dma_start3A_58 = tpu.memref_slice %arg12[%mul3A_44] : memref<320000xf32, #tpu.memory_space<hbm>> -> memref<1000xf32, #tpu.memory_space<hbm>>
      %dma_start3A_59 = tpu.memref_slice %arg12[%mul3A_44] : memref<320000xf32, #tpu.memory_space<hbm>> -> memref<1000xf32, #tpu.memory_space<hbm>>
      %dma_start3A_60 = arith.constant 6000 : i32
      %dma_start3A_61 = tpu.memref_slice %arg17[%dma_start3A_60] : memref<10000xf32, #tpu.memory_space<vmem>> -> memref<1000xf32, #tpu.memory_space<vmem>>
      tpu.enqueue_dma source(%dma_start3A_61 : memref<1000xf32, #tpu.memory_space<vmem>>) target(%dma_start3A_59 : memref<1000xf32, #tpu.memory_space<hbm>>) target_semaphore(%run_scoped3A : memref<!tpu.dma_semaphore, #tpu.memory_space<semaphore_mem>>)
      %dma_wait3A = arith.constant 6000 : i32
      %dma_wait3A_62 = tpu.memref_slice %arg17[%dma_wait3A] : memref<10000xf32, #tpu.memory_space<vmem>> -> memref<1000xf32, #tpu.memory_space<vmem>>
      %dma_wait3A_63 = tpu.memref_slice %arg12[%mul3A_44] : memref<320000xf32, #tpu.memory_space<hbm>> -> memref<1000xf32, #tpu.memory_space<hbm>>
      %dma_wait3A_64 = tpu.memref_slice %arg12[%mul3A_44] : memref<320000xf32, #tpu.memory_space<hbm>> -> memref<1000xf32, #tpu.memory_space<hbm>>
      %dma_wait3A_65 = arith.constant 6000 : i32
      %dma_wait3A_66 = tpu.memref_slice %arg17[%dma_wait3A_65] : memref<10000xf32, #tpu.memory_space<vmem>> -> memref<1000xf32, #tpu.memory_space<vmem>>
      tpu.wait_dma2 semaphore(%run_scoped3A : memref<!tpu.dma_semaphore, #tpu.memory_space<semaphore_mem>>) src(%dma_wait3A_66 : memref<1000xf32, #tpu.memory_space<vmem>>) dst(%dma_wait3A_64 : memref<1000xf32, #tpu.memory_space<hbm>>)
      tpu.yield
    }) : () -> ()
    %add3A_45 = arith.constant 224 : i32
    %add3A_46 = arith.addi %add3A_45, %add3A : i32
    %mul3A_47 = arith.constant 1000 : i32
    %mul3A_48 = arith.muli %add3A_46, %mul3A_47 : i32
    "tpu.region"() ({
      %run_scoped3A = tpu.sem_alloc : memref<!tpu.dma_semaphore, #tpu.memory_space<semaphore_mem>>
      %dma_start3A = arith.constant 7000 : i32
      %dma_start3A_57 = tpu.memref_slice %arg17[%dma_start3A] : memref<10000xf32, #tpu.memory_space<vmem>> -> memref<1000xf32, #tpu.memory_space<vmem>>
      %dma_start3A_58 = tpu.memref_slice %arg12[%mul3A_48] : memref<320000xf32, #tpu.memory_space<hbm>> -> memref<1000xf32, #tpu.memory_space<hbm>>
      %dma_start3A_59 = tpu.memref_slice %arg12[%mul3A_48] : memref<320000xf32, #tpu.memory_space<hbm>> -> memref<1000xf32, #tpu.memory_space<hbm>>
      %dma_start3A_60 = arith.constant 7000 : i32
      %dma_start3A_61 = tpu.memref_slice %arg17[%dma_start3A_60] : memref<10000xf32, #tpu.memory_space<vmem>> -> memref<1000xf32, #tpu.memory_space<vmem>>
      tpu.enqueue_dma source(%dma_start3A_61 : memref<1000xf32, #tpu.memory_space<vmem>>) target(%dma_start3A_59 : memref<1000xf32, #tpu.memory_space<hbm>>) target_semaphore(%run_scoped3A : memref<!tpu.dma_semaphore, #tpu.memory_space<semaphore_mem>>)
      %dma_wait3A = arith.constant 7000 : i32
      %dma_wait3A_62 = tpu.memref_slice %arg17[%dma_wait3A] : memref<10000xf32, #tpu.memory_space<vmem>> -> memref<1000xf32, #tpu.memory_space<vmem>>
      %dma_wait3A_63 = tpu.memref_slice %arg12[%mul3A_48] : memref<320000xf32, #tpu.memory_space<hbm>> -> memref<1000xf32, #tpu.memory_space<hbm>>
      %dma_wait3A_64 = tpu.memref_slice %arg12[%mul3A_48] : memref<320000xf32, #tpu.memory_space<hbm>> -> memref<1000xf32, #tpu.memory_space<hbm>>
      %dma_wait3A_65 = arith.constant 7000 : i32
      %dma_wait3A_66 = tpu.memref_slice %arg17[%dma_wait3A_65] : memref<10000xf32, #tpu.memory_space<vmem>> -> memref<1000xf32, #tpu.memory_space<vmem>>
      tpu.wait_dma2 semaphore(%run_scoped3A : memref<!tpu.dma_semaphore, #tpu.memory_space<semaphore_mem>>) src(%dma_wait3A_66 : memref<1000xf32, #tpu.memory_space<vmem>>) dst(%dma_wait3A_64 : memref<1000xf32, #tpu.memory_space<hbm>>)
      tpu.yield
    }) : () -> ()
    %add3A_49 = arith.constant 256 : i32
    %add3A_50 = arith.addi %add3A_49, %add3A : i32
    %mul3A_51 = arith.constant 1000 : i32
    %mul3A_52 = arith.muli %add3A_50, %mul3A_51 : i32
    "tpu.region"() ({
      %run_scoped3A = tpu.sem_alloc : memref<!tpu.dma_semaphore, #tpu.memory_space<semaphore_mem>>
      %dma_start3A = arith.constant 8000 : i32
      %dma_start3A_57 = tpu.memref_slice %arg17[%dma_start3A] : memref<10000xf32, #tpu.memory_space<vmem>> -> memref<1000xf32, #tpu.memory_space<vmem>>
      %dma_start3A_58 = tpu.memref_slice %arg12[%mul3A_52] : memref<320000xf32, #tpu.memory_space<hbm>> -> memref<1000xf32, #tpu.memory_space<hbm>>
      %dma_start3A_59 = tpu.memref_slice %arg12[%mul3A_52] : memref<320000xf32, #tpu.memory_space<hbm>> -> memref<1000xf32, #tpu.memory_space<hbm>>
      %dma_start3A_60 = arith.constant 8000 : i32
      %dma_start3A_61 = tpu.memref_slice %arg17[%dma_start3A_60] : memref<10000xf32, #tpu.memory_space<vmem>> -> memref<1000xf32, #tpu.memory_space<vmem>>
      tpu.enqueue_dma source(%dma_start3A_61 : memref<1000xf32, #tpu.memory_space<vmem>>) target(%dma_start3A_59 : memref<1000xf32, #tpu.memory_space<hbm>>) target_semaphore(%run_scoped3A : memref<!tpu.dma_semaphore, #tpu.memory_space<semaphore_mem>>)
      %dma_wait3A = arith.constant 8000 : i32
      %dma_wait3A_62 = tpu.memref_slice %arg17[%dma_wait3A] : memref<10000xf32, #tpu.memory_space<vmem>> -> memref<1000xf32, #tpu.memory_space<vmem>>
      %dma_wait3A_63 = tpu.memref_slice %arg12[%mul3A_52] : memref<320000xf32, #tpu.memory_space<hbm>> -> memref<1000xf32, #tpu.memory_space<hbm>>
      %dma_wait3A_64 = tpu.memref_slice %arg12[%mul3A_52] : memref<320000xf32, #tpu.memory_space<hbm>> -> memref<1000xf32, #tpu.memory_space<hbm>>
      %dma_wait3A_65 = arith.constant 8000 : i32
      %dma_wait3A_66 = tpu.memref_slice %arg17[%dma_wait3A_65] : memref<10000xf32, #tpu.memory_space<vmem>> -> memref<1000xf32, #tpu.memory_space<vmem>>
      tpu.wait_dma2 semaphore(%run_scoped3A : memref<!tpu.dma_semaphore, #tpu.memory_space<semaphore_mem>>) src(%dma_wait3A_66 : memref<1000xf32, #tpu.memory_space<vmem>>) dst(%dma_wait3A_64 : memref<1000xf32, #tpu.memory_space<hbm>>)
      tpu.yield
    }) : () -> ()
    %add3A_53 = arith.constant 288 : i32
    %add3A_54 = arith.addi %add3A_53, %add3A : i32
    %mul3A_55 = arith.constant 1000 : i32
    %mul3A_56 = arith.muli %add3A_54, %mul3A_55 : i32
    "tpu.region"() ({
      %run_scoped3A = tpu.sem_alloc : memref<!tpu.dma_semaphore, #tpu.memory_space<semaphore_mem>>
      %dma_start3A = arith.constant 9000 : i32
      %dma_start3A_57 = tpu.memref_slice %arg17[%dma_start3A] : memref<10000xf32, #tpu.memory_space<vmem>> -> memref<1000xf32, #tpu.memory_space<vmem>>
      %dma_start3A_58 = tpu.memref_slice %arg12[%mul3A_56] : memref<320000xf32, #tpu.memory_space<hbm>> -> memref<1000xf32, #tpu.memory_space<hbm>>
      %dma_start3A_59 = tpu.memref_slice %arg12[%mul3A_56] : memref<320000xf32, #tpu.memory_space<hbm>> -> memref<1000xf32, #tpu.memory_space<hbm>>
      %dma_start3A_60 = arith.constant 9000 : i32
      %dma_start3A_61 = tpu.memref_slice %arg17[%dma_start3A_60] : memref<10000xf32, #tpu.memory_space<vmem>> -> memref<1000xf32, #tpu.memory_space<vmem>>
      tpu.enqueue_dma source(%dma_start3A_61 : memref<1000xf32, #tpu.memory_space<vmem>>) target(%dma_start3A_59 : memref<1000xf32, #tpu.memory_space<hbm>>) target_semaphore(%run_scoped3A : memref<!tpu.dma_semaphore, #tpu.memory_space<semaphore_mem>>)
      %dma_wait3A = arith.constant 9000 : i32
      %dma_wait3A_62 = tpu.memref_slice %arg17[%dma_wait3A] : memref<10000xf32, #tpu.memory_space<vmem>> -> memref<1000xf32, #tpu.memory_space<vmem>>
      %dma_wait3A_63 = tpu.memref_slice %arg12[%mul3A_56] : memref<320000xf32, #tpu.memory_space<hbm>> -> memref<1000xf32, #tpu.memory_space<hbm>>
      %dma_wait3A_64 = tpu.memref_slice %arg12[%mul3A_56] : memref<320000xf32, #tpu.memory_space<hbm>> -> memref<1000xf32, #tpu.memory_space<hbm>>
      %dma_wait3A_65 = arith.constant 9000 : i32
      %dma_wait3A_66 = tpu.memref_slice %arg17[%dma_wait3A_65] : memref<10000xf32, #tpu.memory_space<vmem>> -> memref<1000xf32, #tpu.memory_space<vmem>>
      tpu.wait_dma2 semaphore(%run_scoped3A : memref<!tpu.dma_semaphore, #tpu.memory_space<semaphore_mem>>) src(%dma_wait3A_66 : memref<1000xf32, #tpu.memory_space<vmem>>) dst(%dma_wait3A_64 : memref<1000xf32, #tpu.memory_space<hbm>>)
      tpu.yield
    }) : () -> ()
    return
  }
}

#map = affine_map<(d0, d1) -> (0, 0)>
#map1 = affine_map<(d0, d1) -> (0, 0, 0)>
module attributes {stable_mosaic.version = 14 : i64} {
  func.func @_sc_scatter_body(%arg0: i32, %arg1: i32, %arg2: memref<320000x128xf32, #tpu.memory_space<hbm>>, %arg3: memref<3200x100xi32, #tpu.memory_space<hbm>>, %arg4: memref<10000x128xf32, #tpu.memory_space<hbm>>, %arg5: memref<2x10000x128xf32, #tpu.memory_space<hbm>>, %arg6: memref<10000x128xf32, #tpu.memory_space<vmem_shared>>, %arg7: memref<200x128xf32, #tpu.memory_space<vmem>>, %arg8: memref<2x100xi32, #tpu.memory_space<vmem>>, %arg9: memref<!tpu.dma_semaphore, #tpu.memory_space<semaphore_mem>>) attributes {dimension_semantics = [#tpu.dimension_semantics<core_parallel>, #tpu.dimension_semantics<subcore_parallel>], iteration_bounds = array<i64: 2, 16>, scalar_prefetch = 0 : i64, scratch_operands = 4 : i64, tpu.core_type = #tpu.core_type<sc_vector_subcore>, window_params = [{transform_indices = #map}, {transform_indices = #map}, {transform_indices = #map}, {transform_indices = #map1}]} {
    %mul3A = arith.constant 2 : i32
    %mul3A_0 = arith.muli %arg1, %mul3A : i32
    %add3A = arith.addi %mul3A_0, %arg0 : i32
    %mul3A_1 = arith.constant 624 : i32
    %mul3A_2 = arith.muli %arg1, %mul3A_1 : i32
    "tpu.region"() ({
      %run_scoped3A = tpu.sem_alloc : memref<!tpu.dma_semaphore, #tpu.memory_space<semaphore_mem>>
      %dma_start3A = arith.constant 0 : i32
      %dma_start3A_18 = tpu.memref_slice %arg6[%mul3A_2, %dma_start3A] : memref<10000x128xf32, #tpu.memory_space<vmem_shared>> -> memref<624x128xf32, #tpu.memory_space<vmem_shared>>
      %dma_start3A_19 = arith.constant 0 : i32
      %dma_start3A_20 = tpu.memref_slice %arg4[%mul3A_2, %dma_start3A_19] : memref<10000x128xf32, #tpu.memory_space<hbm>> -> memref<624x128xf32, #tpu.memory_space<hbm>>
      tpu.enqueue_dma source(%dma_start3A_20 : memref<624x128xf32, #tpu.memory_space<hbm>>) target(%dma_start3A_18 : memref<624x128xf32, #tpu.memory_space<vmem_shared>>) target_semaphore(%run_scoped3A : memref<!tpu.dma_semaphore, #tpu.memory_space<semaphore_mem>>)
      %dma_wait3A = arith.constant 0 : i32
      %dma_wait3A_21 = tpu.memref_slice %arg6[%mul3A_2, %dma_wait3A] : memref<10000x128xf32, #tpu.memory_space<vmem_shared>> -> memref<624x128xf32, #tpu.memory_space<vmem_shared>>
      %dma_wait3A_22 = arith.constant 0 : i32
      %dma_wait3A_23 = tpu.memref_slice %arg4[%mul3A_2, %dma_wait3A_22] : memref<10000x128xf32, #tpu.memory_space<hbm>> -> memref<624x128xf32, #tpu.memory_space<hbm>>
      tpu.wait_dma2 semaphore(%run_scoped3A : memref<!tpu.dma_semaphore, #tpu.memory_space<semaphore_mem>>) src(%dma_wait3A_23 : memref<624x128xf32, #tpu.memory_space<hbm>>) dst(%dma_wait3A_21 : memref<624x128xf32, #tpu.memory_space<vmem_shared>>)
      tpu.yield
    }) : () -> ()
    %eq3A = arith.constant 0 : i32
    %eq3A_3 = arith.cmpi eq, %arg1, %eq3A : i32
    %convert_element_type3A = arith.extui %eq3A_3 : i1 to i32
    %cond3A = arith.constant 0 : i32
    %cond3A_4 = arith.cmpi ne, %convert_element_type3A, %cond3A : i32
    scf.if %cond3A_4 {
      "tpu.region"() ({
        %run_scoped3A = tpu.sem_alloc : memref<!tpu.dma_semaphore, #tpu.memory_space<semaphore_mem>>
        %dma_start3A = arith.constant 9984 : i32
        %dma_start3A_18 = arith.constant 0 : i32
        %dma_start3A_19 = tpu.memref_slice %arg6[%dma_start3A, %dma_start3A_18] : memref<10000x128xf32, #tpu.memory_space<vmem_shared>> -> memref<16x128xf32, #tpu.memory_space<vmem_shared>>
        %dma_start3A_20 = arith.constant 9984 : i32
        %dma_start3A_21 = arith.constant 0 : i32
        %dma_start3A_22 = tpu.memref_slice %arg4[%dma_start3A_20, %dma_start3A_21] : memref<10000x128xf32, #tpu.memory_space<hbm>> -> memref<16x128xf32, #tpu.memory_space<hbm>>
        tpu.enqueue_dma source(%dma_start3A_22 : memref<16x128xf32, #tpu.memory_space<hbm>>) target(%dma_start3A_19 : memref<16x128xf32, #tpu.memory_space<vmem_shared>>) target_semaphore(%run_scoped3A : memref<!tpu.dma_semaphore, #tpu.memory_space<semaphore_mem>>)
        %dma_wait3A = arith.constant 9984 : i32
        %dma_wait3A_23 = arith.constant 0 : i32
        %dma_wait3A_24 = tpu.memref_slice %arg6[%dma_wait3A, %dma_wait3A_23] : memref<10000x128xf32, #tpu.memory_space<vmem_shared>> -> memref<16x128xf32, #tpu.memory_space<vmem_shared>>
        %dma_wait3A_25 = arith.constant 9984 : i32
        %dma_wait3A_26 = arith.constant 0 : i32
        %dma_wait3A_27 = tpu.memref_slice %arg4[%dma_wait3A_25, %dma_wait3A_26] : memref<10000x128xf32, #tpu.memory_space<hbm>> -> memref<16x128xf32, #tpu.memory_space<hbm>>
        tpu.wait_dma2 semaphore(%run_scoped3A : memref<!tpu.dma_semaphore, #tpu.memory_space<semaphore_mem>>) src(%dma_wait3A_27 : memref<16x128xf32, #tpu.memory_space<hbm>>) dst(%dma_wait3A_24 : memref<16x128xf32, #tpu.memory_space<vmem_shared>>)
        tpu.yield
      }) : () -> ()
    } else {
    }
    %barrier3A = arith.constant 0 : index
    tpu.barrier barrier_id(%barrier3A)
    %mul3A_5 = arith.constant 10000 : i32
    %mul3A_6 = arith.muli %add3A, %mul3A_5 : i32
    %scan3A = arith.constant 0 : i32
    %scan3A_7 = arith.constant 0 : i32
    %scan3A_8 = arith.constant 50 : i32
    %scan3A_9 = arith.addi %scan3A_7, %scan3A_8 : i32
    %scan3A_10 = arith.constant 1 : i32
    scf.for %scan3A_18 = %scan3A_7 to %scan3A_9 step %scan3A_10  : i32 {
      %mul3A_19 = arith.constant 200 : i32
      %mul3A_20 = arith.muli %scan3A_18, %mul3A_19 : i32
      %add3A_21 = arith.addi %mul3A_6, %mul3A_20 : i32
      "tpu.region"() ({
        %run_scoped3A = tpu.sem_alloc : memref<!tpu.dma_semaphore, #tpu.memory_space<semaphore_mem>>
        %dma_start3A_65 = arith.constant 0 : i32
        %dma_start3A_66 = tpu.memref_slice %arg2[%add3A_21, %dma_start3A_65] : memref<320000x128xf32, #tpu.memory_space<hbm>> -> memref<200x128xf32, #tpu.memory_space<hbm>>
        %dma_start3A_67 = arith.constant 0 : i32
        %dma_start3A_68 = tpu.memref_slice %arg2[%add3A_21, %dma_start3A_67] : memref<320000x128xf32, #tpu.memory_space<hbm>> -> memref<200x128xf32, #tpu.memory_space<hbm>>
        tpu.enqueue_dma source(%dma_start3A_68 : memref<200x128xf32, #tpu.memory_space<hbm>>) target(%arg7 : memref<200x128xf32, #tpu.memory_space<vmem>>) target_semaphore(%run_scoped3A : memref<!tpu.dma_semaphore, #tpu.memory_space<semaphore_mem>>)
        %dma_wait3A_69 = arith.constant 0 : i32
        %dma_wait3A_70 = tpu.memref_slice %arg2[%add3A_21, %dma_wait3A_69] : memref<320000x128xf32, #tpu.memory_space<hbm>> -> memref<200x128xf32, #tpu.memory_space<hbm>>
        %dma_wait3A_71 = arith.constant 0 : i32
        %dma_wait3A_72 = tpu.memref_slice %arg2[%add3A_21, %dma_wait3A_71] : memref<320000x128xf32, #tpu.memory_space<hbm>> -> memref<200x128xf32, #tpu.memory_space<hbm>>
        tpu.wait_dma2 semaphore(%run_scoped3A : memref<!tpu.dma_semaphore, #tpu.memory_space<semaphore_mem>>) src(%dma_wait3A_72 : memref<200x128xf32, #tpu.memory_space<hbm>>) dst(%arg7 : memref<200x128xf32, #tpu.memory_space<vmem>>)
        tpu.yield
      }) : () -> ()
      %mul3A_22 = arith.constant 100 : i32
      %mul3A_23 = arith.muli %add3A, %mul3A_22 : i32
      %mul3A_24 = arith.constant 2 : i32
      %mul3A_25 = arith.muli %scan3A_18, %mul3A_24 : i32
      %add3A_26 = arith.addi %mul3A_23, %mul3A_25 : i32
      "tpu.region"() ({
        %run_scoped3A = tpu.sem_alloc : memref<!tpu.dma_semaphore, #tpu.memory_space<semaphore_mem>>
        %dma_start3A_65 = arith.constant 0 : i32
        %dma_start3A_66 = tpu.memref_slice %arg3[%add3A_26, %dma_start3A_65] : memref<3200x100xi32, #tpu.memory_space<hbm>> -> memref<2x100xi32, #tpu.memory_space<hbm>>
        %dma_start3A_67 = arith.constant 0 : i32
        %dma_start3A_68 = tpu.memref_slice %arg3[%add3A_26, %dma_start3A_67] : memref<3200x100xi32, #tpu.memory_space<hbm>> -> memref<2x100xi32, #tpu.memory_space<hbm>>
        tpu.enqueue_dma source(%dma_start3A_68 : memref<2x100xi32, #tpu.memory_space<hbm>>) target(%arg8 : memref<2x100xi32, #tpu.memory_space<vmem>>) target_semaphore(%run_scoped3A : memref<!tpu.dma_semaphore, #tpu.memory_space<semaphore_mem>>)
        %dma_wait3A_69 = arith.constant 0 : i32
        %dma_wait3A_70 = tpu.memref_slice %arg3[%add3A_26, %dma_wait3A_69] : memref<3200x100xi32, #tpu.memory_space<hbm>> -> memref<2x100xi32, #tpu.memory_space<hbm>>
        %dma_wait3A_71 = arith.constant 0 : i32
        %dma_wait3A_72 = tpu.memref_slice %arg3[%add3A_26, %dma_wait3A_71] : memref<3200x100xi32, #tpu.memory_space<hbm>> -> memref<2x100xi32, #tpu.memory_space<hbm>>
        tpu.wait_dma2 semaphore(%run_scoped3A : memref<!tpu.dma_semaphore, #tpu.memory_space<semaphore_mem>>) src(%dma_wait3A_72 : memref<2x100xi32, #tpu.memory_space<hbm>>) dst(%arg8 : memref<2x100xi32, #tpu.memory_space<vmem>>)
        tpu.yield
      }) : () -> ()
      %dma_start3A = arith.constant 0 : i32
      %dma_start3A_27 = arith.constant 0 : i32
      %dma_start3A_28 = arith.constant 0 : i32
      %dma_start3A_29 = tpu.memref_slice %arg7[%dma_start3A_27, %dma_start3A_28] : memref<200x128xf32, #tpu.memory_space<vmem>> -> memref<100x128xf32, #tpu.memory_space<vmem>>
      %dma_start3A_30 = arith.constant 0 : i32
      %dma_start3A_31 = tpu.memref_slice %arg8[%dma_start3A, %dma_start3A_30] : memref<2x100xi32, #tpu.memory_space<vmem>> -> memref<1x100xi32, #tpu.memory_space<vmem>>
      %dma_start3A_32 = tpu.memref_squeeze %dma_start3A_31 : memref<1x100xi32, #tpu.memory_space<vmem>> -> memref<100xi32, #tpu.memory_space<vmem>>
      %dma_start3A_33 = arith.constant 0 : i32
      %dma_start3A_34 = arith.constant 0 : i32
      %dma_start3A_35 = tpu.memref_slice %arg6[%dma_start3A_33, %dma_start3A_34] : memref<10000x128xf32, #tpu.memory_space<vmem_shared>> -> memref<10000x128xf32, #tpu.memory_space<vmem_shared>>
      tpu.enqueue_indirect_dma source(%dma_start3A_29 : memref<100x128xf32, #tpu.memory_space<vmem>>) target(%dma_start3A_35 : memref<10000x128xf32, #tpu.memory_space<vmem_shared>>) offsets(%dma_start3A_32 : memref<100xi32, #tpu.memory_space<vmem>>) semaphore(%arg9 : memref<!tpu.dma_semaphore, #tpu.memory_space<semaphore_mem>>) {add = true}
      %dma_start3A_36 = arith.constant 1 : i32
      %dma_start3A_37 = arith.constant 100 : i32
      %dma_start3A_38 = arith.constant 0 : i32
      %dma_start3A_39 = tpu.memref_slice %arg7[%dma_start3A_37, %dma_start3A_38] : memref<200x128xf32, #tpu.memory_space<vmem>> -> memref<100x128xf32, #tpu.memory_space<vmem>>
      %dma_start3A_40 = arith.constant 0 : i32
      %dma_start3A_41 = tpu.memref_slice %arg8[%dma_start3A_36, %dma_start3A_40] : memref<2x100xi32, #tpu.memory_space<vmem>> -> memref<1x100xi32, #tpu.memory_space<vmem>>
      %dma_start3A_42 = tpu.memref_squeeze %dma_start3A_41 : memref<1x100xi32, #tpu.memory_space<vmem>> -> memref<100xi32, #tpu.memory_space<vmem>>
      %dma_start3A_43 = arith.constant 0 : i32
      %dma_start3A_44 = arith.constant 0 : i32
      %dma_start3A_45 = tpu.memref_slice %arg6[%dma_start3A_43, %dma_start3A_44] : memref<10000x128xf32, #tpu.memory_space<vmem_shared>> -> memref<10000x128xf32, #tpu.memory_space<vmem_shared>>
      tpu.enqueue_indirect_dma source(%dma_start3A_39 : memref<100x128xf32, #tpu.memory_space<vmem>>) target(%dma_start3A_45 : memref<10000x128xf32, #tpu.memory_space<vmem_shared>>) offsets(%dma_start3A_42 : memref<100xi32, #tpu.memory_space<vmem>>) semaphore(%arg9 : memref<!tpu.dma_semaphore, #tpu.memory_space<semaphore_mem>>) {add = true}
      %dma_wait3A = arith.constant 0 : i32
      %dma_wait3A_46 = arith.constant 0 : i32
      %dma_wait3A_47 = arith.constant 0 : i32
      %dma_wait3A_48 = tpu.memref_slice %arg7[%dma_wait3A_46, %dma_wait3A_47] : memref<200x128xf32, #tpu.memory_space<vmem>> -> memref<100x128xf32, #tpu.memory_space<vmem>>
      %dma_wait3A_49 = arith.constant 0 : i32
      %dma_wait3A_50 = tpu.memref_slice %arg8[%dma_wait3A, %dma_wait3A_49] : memref<2x100xi32, #tpu.memory_space<vmem>> -> memref<1x100xi32, #tpu.memory_space<vmem>>
      %dma_wait3A_51 = tpu.memref_squeeze %dma_wait3A_50 : memref<1x100xi32, #tpu.memory_space<vmem>> -> memref<100xi32, #tpu.memory_space<vmem>>
      %dma_wait3A_52 = arith.constant 0 : i32
      %dma_wait3A_53 = arith.constant 0 : i32
      %dma_wait3A_54 = tpu.memref_slice %arg6[%dma_wait3A_52, %dma_wait3A_53] : memref<10000x128xf32, #tpu.memory_space<vmem_shared>> -> memref<10000x128xf32, #tpu.memory_space<vmem_shared>>
      tpu.wait_indirect_dma semaphore(%arg9 : memref<!tpu.dma_semaphore, #tpu.memory_space<semaphore_mem>>) src(%dma_wait3A_48 : memref<100x128xf32, #tpu.memory_space<vmem>>) dst(%dma_wait3A_54 : memref<10000x128xf32, #tpu.memory_space<vmem_shared>>)
      %dma_wait3A_55 = arith.constant 1 : i32
      %dma_wait3A_56 = arith.constant 100 : i32
      %dma_wait3A_57 = arith.constant 0 : i32
      %dma_wait3A_58 = tpu.memref_slice %arg7[%dma_wait3A_56, %dma_wait3A_57] : memref<200x128xf32, #tpu.memory_space<vmem>> -> memref<100x128xf32, #tpu.memory_space<vmem>>
      %dma_wait3A_59 = arith.constant 0 : i32
      %dma_wait3A_60 = tpu.memref_slice %arg8[%dma_wait3A_55, %dma_wait3A_59] : memref<2x100xi32, #tpu.memory_space<vmem>> -> memref<1x100xi32, #tpu.memory_space<vmem>>
      %dma_wait3A_61 = tpu.memref_squeeze %dma_wait3A_60 : memref<1x100xi32, #tpu.memory_space<vmem>> -> memref<100xi32, #tpu.memory_space<vmem>>
      %dma_wait3A_62 = arith.constant 0 : i32
      %dma_wait3A_63 = arith.constant 0 : i32
      %dma_wait3A_64 = tpu.memref_slice %arg6[%dma_wait3A_62, %dma_wait3A_63] : memref<10000x128xf32, #tpu.memory_space<vmem_shared>> -> memref<10000x128xf32, #tpu.memory_space<vmem_shared>>
      tpu.wait_indirect_dma semaphore(%arg9 : memref<!tpu.dma_semaphore, #tpu.memory_space<semaphore_mem>>) src(%dma_wait3A_58 : memref<100x128xf32, #tpu.memory_space<vmem>>) dst(%dma_wait3A_64 : memref<10000x128xf32, #tpu.memory_space<vmem_shared>>)
    }
    %scan3A_11 = arith.constant 50 : i32
    %barrier3A_12 = arith.constant 0 : index
    tpu.barrier barrier_id(%barrier3A_12)
    "tpu.region"() ({
      %run_scoped3A = tpu.sem_alloc : memref<!tpu.dma_semaphore, #tpu.memory_space<semaphore_mem>>
      %dma_start3A = arith.constant 0 : i32
      %dma_start3A_18 = tpu.memref_slice %arg5[%arg0, %mul3A_2, %dma_start3A] : memref<2x10000x128xf32, #tpu.memory_space<hbm>> -> memref<1x624x128xf32, #tpu.memory_space<hbm>>
      %dma_start3A_19 = tpu.memref_squeeze %dma_start3A_18 : memref<1x624x128xf32, #tpu.memory_space<hbm>> -> memref<624x128xf32, #tpu.memory_space<hbm>>
      %dma_start3A_20 = arith.constant 0 : i32
      %dma_start3A_21 = tpu.memref_slice %arg6[%mul3A_2, %dma_start3A_20] : memref<10000x128xf32, #tpu.memory_space<vmem_shared>> -> memref<624x128xf32, #tpu.memory_space<vmem_shared>>
      tpu.enqueue_dma source(%dma_start3A_21 : memref<624x128xf32, #tpu.memory_space<vmem_shared>>) target(%dma_start3A_19 : memref<624x128xf32, #tpu.memory_space<hbm>>) target_semaphore(%run_scoped3A : memref<!tpu.dma_semaphore, #tpu.memory_space<semaphore_mem>>)
      %dma_wait3A = arith.constant 0 : i32
      %dma_wait3A_22 = tpu.memref_slice %arg5[%arg0, %mul3A_2, %dma_wait3A] : memref<2x10000x128xf32, #tpu.memory_space<hbm>> -> memref<1x624x128xf32, #tpu.memory_space<hbm>>
      %dma_wait3A_23 = tpu.memref_squeeze %dma_wait3A_22 : memref<1x624x128xf32, #tpu.memory_space<hbm>> -> memref<624x128xf32, #tpu.memory_space<hbm>>
      %dma_wait3A_24 = arith.constant 0 : i32
      %dma_wait3A_25 = tpu.memref_slice %arg6[%mul3A_2, %dma_wait3A_24] : memref<10000x128xf32, #tpu.memory_space<vmem_shared>> -> memref<624x128xf32, #tpu.memory_space<vmem_shared>>
      tpu.wait_dma2 semaphore(%run_scoped3A : memref<!tpu.dma_semaphore, #tpu.memory_space<semaphore_mem>>) src(%dma_wait3A_25 : memref<624x128xf32, #tpu.memory_space<vmem_shared>>) dst(%dma_wait3A_23 : memref<624x128xf32, #tpu.memory_space<hbm>>)
      tpu.yield
    }) : () -> ()
    %eq3A_13 = arith.constant 0 : i32
    %eq3A_14 = arith.cmpi eq, %arg1, %eq3A_13 : i32
    %convert_element_type3A_15 = arith.extui %eq3A_14 : i1 to i32
    %cond3A_16 = arith.constant 0 : i32
    %cond3A_17 = arith.cmpi ne, %convert_element_type3A_15, %cond3A_16 : i32
    scf.if %cond3A_17 {
      "tpu.region"() ({
        %run_scoped3A = tpu.sem_alloc : memref<!tpu.dma_semaphore, #tpu.memory_space<semaphore_mem>>
        %dma_start3A = arith.constant 9984 : i32
        %dma_start3A_18 = arith.constant 0 : i32
        %dma_start3A_19 = tpu.memref_slice %arg5[%arg0, %dma_start3A, %dma_start3A_18] : memref<2x10000x128xf32, #tpu.memory_space<hbm>> -> memref<1x16x128xf32, #tpu.memory_space<hbm>>
        %dma_start3A_20 = tpu.memref_squeeze %dma_start3A_19 : memref<1x16x128xf32, #tpu.memory_space<hbm>> -> memref<16x128xf32, #tpu.memory_space<hbm>>
        %dma_start3A_21 = arith.constant 9984 : i32
        %dma_start3A_22 = arith.constant 0 : i32
        %dma_start3A_23 = tpu.memref_slice %arg6[%dma_start3A_21, %dma_start3A_22] : memref<10000x128xf32, #tpu.memory_space<vmem_shared>> -> memref<16x128xf32, #tpu.memory_space<vmem_shared>>
        tpu.enqueue_dma source(%dma_start3A_23 : memref<16x128xf32, #tpu.memory_space<vmem_shared>>) target(%dma_start3A_20 : memref<16x128xf32, #tpu.memory_space<hbm>>) target_semaphore(%run_scoped3A : memref<!tpu.dma_semaphore, #tpu.memory_space<semaphore_mem>>)
        %dma_wait3A = arith.constant 9984 : i32
        %dma_wait3A_24 = arith.constant 0 : i32
        %dma_wait3A_25 = tpu.memref_slice %arg5[%arg0, %dma_wait3A, %dma_wait3A_24] : memref<2x10000x128xf32, #tpu.memory_space<hbm>> -> memref<1x16x128xf32, #tpu.memory_space<hbm>>
        %dma_wait3A_26 = tpu.memref_squeeze %dma_wait3A_25 : memref<1x16x128xf32, #tpu.memory_space<hbm>> -> memref<16x128xf32, #tpu.memory_space<hbm>>
        %dma_wait3A_27 = arith.constant 9984 : i32
        %dma_wait3A_28 = arith.constant 0 : i32
        %dma_wait3A_29 = tpu.memref_slice %arg6[%dma_wait3A_27, %dma_wait3A_28] : memref<10000x128xf32, #tpu.memory_space<vmem_shared>> -> memref<16x128xf32, #tpu.memory_space<vmem_shared>>
        tpu.wait_dma2 semaphore(%run_scoped3A : memref<!tpu.dma_semaphore, #tpu.memory_space<semaphore_mem>>) src(%dma_wait3A_29 : memref<16x128xf32, #tpu.memory_space<vmem_shared>>) dst(%dma_wait3A_26 : memref<16x128xf32, #tpu.memory_space<hbm>>)
        tpu.yield
      }) : () -> ()
    } else {
    }
    return
  }
}

module attributes {stable_mosaic.version = 14 : i64} {
  func.func @_table_body(%arg0: i32, %arg1: memref<1000x128xf32, #tpu.memory_space<vmem>>, %arg2: memref<128x128xf32, #tpu.memory_space<vmem>>, %arg3: memref<128x128xf32, #tpu.memory_space<vmem>>, %arg4: memref<1000x128xf32, #tpu.memory_space<vmem>>, %arg5: memref<1000x128xf32, #tpu.memory_space<vmem>>) attributes {dimension_semantics = [#tpu.dimension_semantics<arbitrary>], iteration_bounds = array<i64: 10>, scalar_prefetch = 0 : i64, scratch_operands = 0 : i64, tpu.core_type = #tpu.core_type<tc>, window_params = [{transform_indices = @transform_0, window_bounds = array<i64: 1000, 128>}, {pipeline_mode = #tpu.pipeline_mode<synchronous>, transform_indices = @transform_1, window_bounds = array<i64: 128, 128>}, {pipeline_mode = #tpu.pipeline_mode<synchronous>, transform_indices = @transform_2, window_bounds = array<i64: 128, 128>}, {transform_indices = @transform_3, window_bounds = array<i64: 1000, 128>}, {transform_indices = @transform_4, window_bounds = array<i64: 1000, 128>}]} {
    %get3A = arith.constant 0 : index
    %get3A_0 = arith.constant 0 : index
    %get3A_1 = vector.load %arg1[%get3A, %get3A_0] : memref<1000x128xf32, #tpu.memory_space<vmem>>, vector<1000x128xf32>
    %get3A_2 = arith.constant 0 : index
    %get3A_3 = arith.constant 0 : index
    %get3A_4 = vector.load %arg2[%get3A_2, %get3A_3] : memref<128x128xf32, #tpu.memory_space<vmem>>, vector<128x128xf32>
    %dot_general3A = arith.constant dense<0.000000e+00> : vector<1000x128xf32>
    %dot_general3A_5 = tpu.matmul %get3A_1, %get3A_4, %dot_general3A {dimension_numbers = #tpu.dot_dimension_numbers<[1], [0], [0], [1], [0, 0, 1, 1], [], []>, transpose_lhs_hint = false} : vector<1000x128xf32>, vector<128x128xf32>, vector<1000x128xf32> -> vector<1000x128xf32>
    %swap3A = arith.constant 0 : index
    %swap3A_6 = arith.constant 0 : index
    %swap3A_7 = vector.load %arg4[%swap3A, %swap3A_6] : memref<1000x128xf32, #tpu.memory_space<vmem>>, vector<1000x128xf32>
    tpu.vector_store %arg4[%swap3A, %swap3A_6], %dot_general3A_5 {strides = array<i32>} : memref<1000x128xf32, #tpu.memory_space<vmem>>, vector<1000x128xf32>,
    %get3A_8 = arith.constant 0 : index
    %get3A_9 = arith.constant 0 : index
    %get3A_10 = vector.load %arg3[%get3A_8, %get3A_9] : memref<128x128xf32, #tpu.memory_space<vmem>>, vector<128x128xf32>
    %dot_general3A_11 = arith.constant dense<0.000000e+00> : vector<1000x128xf32>
    %dot_general3A_12 = tpu.matmul %get3A_1, %get3A_10, %dot_general3A_11 {dimension_numbers = #tpu.dot_dimension_numbers<[1], [0], [0], [1], [0, 0, 1, 1], [], []>, transpose_lhs_hint = false} : vector<1000x128xf32>, vector<128x128xf32>, vector<1000x128xf32> -> vector<1000x128xf32>
    %swap3A_13 = arith.constant 0 : index
    %swap3A_14 = arith.constant 0 : index
    %swap3A_15 = vector.load %arg5[%swap3A_13, %swap3A_14] : memref<1000x128xf32, #tpu.memory_space<vmem>>, vector<1000x128xf32>
    tpu.vector_store %arg5[%swap3A_13, %swap3A_14], %dot_general3A_12 {strides = array<i32>} : memref<1000x128xf32, #tpu.memory_space<vmem>>, vector<1000x128xf32>,
    return
  }
  func.func @transform_0(%arg0: i32) -> (i32, i32) {
    %c0_i32 = arith.constant 0 : i32
    %c0_i32_0 = arith.constant 0 : i32
    return %arg0, %c0_i32 : i32, i32
  }
  func.func @transform_1(%arg0: i32) -> (i32, i32) {
    %c0_i32 = arith.constant 0 : i32
    %c0_i32_0 = arith.constant 0 : i32
    %c0_i32_1 = arith.constant 0 : i32
    return %c0_i32, %c0_i32_0 : i32, i32
  }
  func.func @transform_2(%arg0: i32) -> (i32, i32) {
    %c0_i32 = arith.constant 0 : i32
    %c0_i32_0 = arith.constant 0 : i32
    %c0_i32_1 = arith.constant 0 : i32
    return %c0_i32, %c0_i32_0 : i32, i32
  }
  func.func @transform_3(%arg0: i32) -> (i32, i32) {
    %c0_i32 = arith.constant 0 : i32
    %c0_i32_0 = arith.constant 0 : i32
    return %arg0, %c0_i32 : i32, i32
  }
  func.func @transform_4(%arg0: i32) -> (i32, i32) {
    %c0_i32 = arith.constant 0 : i32
    %c0_i32_0 = arith.constant 0 : i32
    return %arg0, %c0_i32 : i32, i32
  }
}

module attributes {stable_mosaic.version = 14 : i64} {
  func.func @_edge_body(%arg0: i32, %arg1: memref<2560x128xf32, #tpu.memory_space<vmem>>, %arg2: memref<2560x128xf32, #tpu.memory_space<vmem>>, %arg3: memref<2560x1xf32, #tpu.memory_space<vmem>>, %arg4: memref<2560x1xf32, #tpu.memory_space<vmem>>, %arg5: memref<2x128xf32, #tpu.memory_space<vmem>>, %arg6: memref<128x128xf32, #tpu.memory_space<vmem>>, %arg7: memref<32x128xf32, #tpu.memory_space<vmem>>, %arg8: memref<1x128xf32, #tpu.memory_space<vmem>>, %arg9: memref<1x128xf32, #tpu.memory_space<vmem>>, %arg10: memref<128x128xf32, #tpu.memory_space<vmem>>, %arg11: memref<1x128xf32, #tpu.memory_space<vmem>>, %arg12: memref<2560x128xf32, #tpu.memory_space<vmem>>) attributes {dimension_semantics = [#tpu.dimension_semantics<arbitrary>], iteration_bounds = array<i64: 125>, scalar_prefetch = 0 : i64, scratch_operands = 0 : i64, tpu.core_type = #tpu.core_type<tc>, window_params = [{transform_indices = @transform_0, window_bounds = array<i64: 2560, 128>}, {transform_indices = @transform_1, window_bounds = array<i64: 2560, 128>}, {transform_indices = @transform_2, window_bounds = array<i64: 2560, 1>}, {transform_indices = @transform_3, window_bounds = array<i64: 2560, 1>}, {pipeline_mode = #tpu.pipeline_mode<synchronous>, transform_indices = @transform_4, window_bounds = array<i64: 2, 128>}, {pipeline_mode = #tpu.pipeline_mode<synchronous>, transform_indices = @transform_5, window_bounds = array<i64: 128, 128>}, {pipeline_mode = #tpu.pipeline_mode<synchronous>, transform_indices = @transform_6, window_bounds = array<i64: 32, 128>}, {pipeline_mode = #tpu.pipeline_mode<synchronous>, transform_indices = @transform_7, window_bounds = array<i64: 1, 128>}, {pipeline_mode = #tpu.pipeline_mode<synchronous>, transform_indices = @transform_8, window_bounds = array<i64: 1, 128>}, {pipeline_mode = #tpu.pipeline_mode<synchronous>, transform_indices = @transform_9, window_bounds = array<i64: 128, 128>}, {pipeline_mode = #tpu.pipeline_mode<synchronous>, transform_indices = @transform_10, window_bounds = array<i64: 1, 128>}, {transform_indices = @transform_11, window_bounds = array<i64: 2560, 128>}]} {
    %get3A = arith.constant 0 : index
    %get3A_0 = arith.constant 0 : index
    %get3A_1 = vector.load %arg1[%get3A, %get3A_0] : memref<2560x128xf32, #tpu.memory_space<vmem>>, vector<2560x128xf32>
    %get3A_2 = arith.constant 0 : index
    %get3A_3 = arith.constant 0 : index
    %get3A_4 = vector.load %arg2[%get3A_2, %get3A_3] : memref<2560x128xf32, #tpu.memory_space<vmem>>, vector<2560x128xf32>
    %add3A = arith.addf %get3A_1, %get3A_4 : vector<2560x128xf32>
    %get3A_5 = arith.constant 0 : index
    %get3A_6 = arith.constant 0 : index
    %get3A_7 = vector.load %arg3[%get3A_5, %get3A_6] : memref<2560x1xf32, #tpu.memory_space<vmem>>, vector<2560x1xf32>
    %sqrt3A = math.sqrt %get3A_7 : vector<2560x1xf32>
    %iota3A = tpu.iota {dimensions = array<i32: 1>} : vector<1x32xi32>
    %convert_element_type3A = arith.sitofp %iota3A : vector<1x32xi32> to vector<1x32xf32>
    %mul3A = arith.constant 0.193548381 : f32
    %mul3A_8 = vector.broadcast %mul3A : f32 to vector<1x32xf32>
    %mul3A_9 = arith.mulf %mul3A_8, %convert_element_type3A : vector<1x32xf32>
    %sub3A = vector.broadcast %sqrt3A : vector<2560x1xf32> to vector<2560x32xf32>
    %sub3A_10 = vector.broadcast %mul3A_9 : vector<1x32xf32> to vector<2560x32xf32>
    %sub3A_11 = arith.subf %sub3A, %sub3A_10 : vector<2560x32xf32>
    %mul3A_12 = arith.constant -26.6944447 : f32
    %mul3A_13 = vector.broadcast %mul3A_12 : f32 to vector<2560x32xf32>
    %mul3A_14 = arith.mulf %mul3A_13, %sub3A_11 : vector<2560x32xf32>
    %mul3A_15 = arith.mulf %mul3A_14, %sub3A_11 : vector<2560x32xf32>
    %exp3A = math.exp %mul3A_15 : vector<2560x32xf32>
    %get3A_16 = arith.constant 0 : index
    %get3A_17 = arith.constant 0 : index
    %get3A_18 = vector.load %arg5[%get3A_16, %get3A_17] : memref<2x128xf32, #tpu.memory_space<vmem>>, vector<2x128xf32>
    %get3A_19 = arith.constant 0 : index
    %get3A_20 = arith.constant 0 : index
    %get3A_21 = vector.load %arg6[%get3A_19, %get3A_20] : memref<128x128xf32, #tpu.memory_space<vmem>>, vector<128x128xf32>
    %dot_general3A = arith.constant dense<0.000000e+00> : vector<2x128xf32>
    %dot_general3A_22 = tpu.matmul %get3A_18, %get3A_21, %dot_general3A {dimension_numbers = #tpu.dot_dimension_numbers<[1], [0], [0], [1], [0, 0, 1, 1], [], []>, transpose_lhs_hint = false} : vector<2x128xf32>, vector<128x128xf32>, vector<2x128xf32> -> vector<2x128xf32>
    %get3A_23 = arith.constant 0 : index
    %get3A_24 = arith.constant 0 : index
    %get3A_25 = vector.load %arg9[%get3A_23, %get3A_24] : memref<1x128xf32, #tpu.memory_space<vmem>>, vector<1x128xf32>
    %add3A_26 = vector.broadcast %get3A_25 : vector<1x128xf32> to vector<2x128xf32>
    %add3A_27 = arith.addf %dot_general3A_22, %add3A_26 : vector<2x128xf32>
    %get3A_28 = arith.constant 0 : index
    %get3A_29 = arith.constant 0 : index
    %get3A_30 = vector.load %arg4[%get3A_28, %get3A_29] : memref<2560x1xf32, #tpu.memory_space<vmem>>, vector<2560x1xf32>
    %slice3A = vector.extract_strided_slice %add3A_27 {offsets = [0, 0], sizes = [1, 128], strides = [1, 1]} : vector<2x128xf32> to vector<1x128xf32>
    %sub3A_31 = arith.constant 1.000000e+00 : f32
    %sub3A_32 = vector.broadcast %sub3A_31 : f32 to vector<2560x1xf32>
    %sub3A_33 = arith.subf %sub3A_32, %get3A_30 : vector<2560x1xf32>
    %mul3A_34 = vector.broadcast %slice3A : vector<1x128xf32> to vector<2560x128xf32>
    %mul3A_35 = vector.broadcast %sub3A_33 : vector<2560x1xf32> to vector<2560x128xf32>
    %mul3A_36 = arith.mulf %mul3A_34, %mul3A_35 : vector<2560x128xf32>
    %slice3A_37 = vector.extract_strided_slice %add3A_27 {offsets = [1, 0], sizes = [1, 128], strides = [1, 1]} : vector<2x128xf32> to vector<1x128xf32>
    %mul3A_38 = vector.broadcast %slice3A_37 : vector<1x128xf32> to vector<2560x128xf32>
    %mul3A_39 = vector.broadcast %get3A_30 : vector<2560x1xf32> to vector<2560x128xf32>
    %mul3A_40 = arith.mulf %mul3A_38, %mul3A_39 : vector<2560x128xf32>
    %add3A_41 = arith.addf %mul3A_36, %mul3A_40 : vector<2560x128xf32>
    %add3A_42 = arith.addf %add3A, %add3A_41 : vector<2560x128xf32>
    %get3A_43 = arith.constant 0 : index
    %get3A_44 = arith.constant 0 : index
    %get3A_45 = vector.load %arg7[%get3A_43, %get3A_44] : memref<32x128xf32, #tpu.memory_space<vmem>>, vector<32x128xf32>
    %dot_general3A_46 = arith.constant dense<0.000000e+00> : vector<2560x128xf32>
    %dot_general3A_47 = tpu.matmul %exp3A, %get3A_45, %dot_general3A_46 {dimension_numbers = #tpu.dot_dimension_numbers<[1], [0], [0], [1], [0, 0, 1, 1], [], []>, transpose_lhs_hint = false} : vector<2560x32xf32>, vector<32x128xf32>, vector<2560x128xf32> -> vector<2560x128xf32>
    %add3A_48 = arith.addf %add3A_42, %dot_general3A_47 : vector<2560x128xf32>
    %get3A_49 = arith.constant 0 : index
    %get3A_50 = arith.constant 0 : index
    %get3A_51 = vector.load %arg8[%get3A_49, %get3A_50] : memref<1x128xf32, #tpu.memory_space<vmem>>, vector<1x128xf32>
    %mul3A_52 = vector.broadcast %sqrt3A : vector<2560x1xf32> to vector<2560x128xf32>
    %mul3A_53 = vector.broadcast %get3A_51 : vector<1x128xf32> to vector<2560x128xf32>
    %mul3A_54 = arith.mulf %mul3A_52, %mul3A_53 : vector<2560x128xf32>
    %add3A_55 = arith.addf %add3A_48, %mul3A_54 : vector<2560x128xf32>
    %neg3A = arith.constant 0.000000e+00 : f32
    %neg3A_56 = vector.broadcast %neg3A : f32 to vector<2560x128xf32>
    %neg3A_57 = arith.subf %neg3A_56, %add3A_55 : vector<2560x128xf32>
    %exp3A_58 = math.exp %neg3A_57 : vector<2560x128xf32>
    %add3A_59 = arith.constant 1.000000e+00 : f32
    %add3A_60 = vector.broadcast %add3A_59 : f32 to vector<2560x128xf32>
    %add3A_61 = arith.addf %add3A_60, %exp3A_58 : vector<2560x128xf32>
    %div3A = arith.constant 1.000000e+00 : f32
    %div3A_62 = vector.broadcast %div3A : f32 to vector<2560x128xf32>
    %div3A_63 = arith.divf %div3A_62, %add3A_61 : vector<2560x128xf32>
    %mul3A_64 = arith.mulf %add3A_55, %div3A_63 : vector<2560x128xf32>
    %get3A_65 = arith.constant 0 : index
    %get3A_66 = arith.constant 0 : index
    %get3A_67 = vector.load %arg10[%get3A_65, %get3A_66] : memref<128x128xf32, #tpu.memory_space<vmem>>, vector<128x128xf32>
    %dot_general3A_68 = arith.constant dense<0.000000e+00> : vector<2560x128xf32>
    %dot_general3A_69 = tpu.matmul %mul3A_64, %get3A_67, %dot_general3A_68 {dimension_numbers = #tpu.dot_dimension_numbers<[1], [0], [0], [1], [0, 0, 1, 1], [], []>, transpose_lhs_hint = false} : vector<2560x128xf32>, vector<128x128xf32>, vector<2560x128xf32> -> vector<2560x128xf32>
    %get3A_70 = arith.constant 0 : index
    %get3A_71 = arith.constant 0 : index
    %get3A_72 = vector.load %arg11[%get3A_70, %get3A_71] : memref<1x128xf32, #tpu.memory_space<vmem>>, vector<1x128xf32>
    %add3A_73 = vector.broadcast %get3A_72 : vector<1x128xf32> to vector<2560x128xf32>
    %add3A_74 = arith.addf %dot_general3A_69, %add3A_73 : vector<2560x128xf32>
    %neg3A_75 = arith.constant 0.000000e+00 : f32
    %neg3A_76 = vector.broadcast %neg3A_75 : f32 to vector<2560x128xf32>
    %neg3A_77 = arith.subf %neg3A_76, %add3A_74 : vector<2560x128xf32>
    %exp3A_78 = math.exp %neg3A_77 : vector<2560x128xf32>
    %add3A_79 = arith.constant 1.000000e+00 : f32
    %add3A_80 = vector.broadcast %add3A_79 : f32 to vector<2560x128xf32>
    %add3A_81 = arith.addf %add3A_80, %exp3A_78 : vector<2560x128xf32>
    %div3A_82 = arith.constant 1.000000e+00 : f32
    %div3A_83 = vector.broadcast %div3A_82 : f32 to vector<2560x128xf32>
    %div3A_84 = arith.divf %div3A_83, %add3A_81 : vector<2560x128xf32>
    %mul3A_85 = arith.mulf %add3A_74, %div3A_84 : vector<2560x128xf32>
    %swap3A = arith.constant 0 : index
    %swap3A_86 = arith.constant 0 : index
    %swap3A_87 = vector.load %arg12[%swap3A, %swap3A_86] : memref<2560x128xf32, #tpu.memory_space<vmem>>, vector<2560x128xf32>
    tpu.vector_store %arg12[%swap3A, %swap3A_86], %mul3A_85 {strides = array<i32>} : memref<2560x128xf32, #tpu.memory_space<vmem>>, vector<2560x128xf32>,
    return
  }
  func.func @transform_0(%arg0: i32) -> (i32, i32) {
    %c0_i32 = arith.constant 0 : i32
    %c0_i32_0 = arith.constant 0 : i32
    return %arg0, %c0_i32 : i32, i32
  }
  func.func @transform_1(%arg0: i32) -> (i32, i32) {
    %c0_i32 = arith.constant 0 : i32
    %c0_i32_0 = arith.constant 0 : i32
    return %arg0, %c0_i32 : i32, i32
  }
  func.func @transform_2(%arg0: i32) -> (i32, i32) {
    %c0_i32 = arith.constant 0 : i32
    %c0_i32_0 = arith.constant 0 : i32
    return %arg0, %c0_i32 : i32, i32
  }
  func.func @transform_3(%arg0: i32) -> (i32, i32) {
    %c0_i32 = arith.constant 0 : i32
    %c0_i32_0 = arith.constant 0 : i32
    return %arg0, %c0_i32 : i32, i32
  }
  func.func @transform_4(%arg0: i32) -> (i32, i32) {
    %c0_i32 = arith.constant 0 : i32
    %c0_i32_0 = arith.constant 0 : i32
    %c0_i32_1 = arith.constant 0 : i32
    return %c0_i32, %c0_i32_0 : i32, i32
  }
  func.func @transform_5(%arg0: i32) -> (i32, i32) {
    %c0_i32 = arith.constant 0 : i32
    %c0_i32_0 = arith.constant 0 : i32
    %c0_i32_1 = arith.constant 0 : i32
    return %c0_i32, %c0_i32_0 : i32, i32
  }
  func.func @transform_6(%arg0: i32) -> (i32, i32) {
    %c0_i32 = arith.constant 0 : i32
    %c0_i32_0 = arith.constant 0 : i32
    %c0_i32_1 = arith.constant 0 : i32
    return %c0_i32, %c0_i32_0 : i32, i32
  }
  func.func @transform_7(%arg0: i32) -> (i32, i32) {
    %c0_i32 = arith.constant 0 : i32
    %c0_i32_0 = arith.constant 0 : i32
    %c0_i32_1 = arith.constant 0 : i32
    return %c0_i32, %c0_i32_0 : i32, i32
  }
  func.func @transform_8(%arg0: i32) -> (i32, i32) {
    %c0_i32 = arith.constant 0 : i32
    %c0_i32_0 = arith.constant 0 : i32
    %c0_i32_1 = arith.constant 0 : i32
    return %c0_i32, %c0_i32_0 : i32, i32
  }
  func.func @transform_9(%arg0: i32) -> (i32, i32) {
    %c0_i32 = arith.constant 0 : i32
    %c0_i32_0 = arith.constant 0 : i32
    %c0_i32_1 = arith.constant 0 : i32
    return %c0_i32, %c0_i32_0 : i32, i32
  }
  func.func @transform_10(%arg0: i32) -> (i32, i32) {
    %c0_i32 = arith.constant 0 : i32
    %c0_i32_0 = arith.constant 0 : i32
    %c0_i32_1 = arith.constant 0 : i32
    return %c0_i32, %c0_i32_0 : i32, i32
  }
  func.func @transform_11(%arg0: i32) -> (i32, i32) {
    %c0_i32 = arith.constant 0 : i32
    %c0_i32_0 = arith.constant 0 : i32
    return %arg0, %c0_i32 : i32, i32
  }
}

module attributes {stable_mosaic.version = 14 : i64} {
  func.func @_node_body(%arg0: i32, %arg1: memref<1000x128xf32, #tpu.memory_space<vmem>>, %arg2: memref<1000x128xf32, #tpu.memory_space<vmem>>, %arg3: memref<1000x128xf32, #tpu.memory_space<vmem>>, %arg4: memref<1x32x1000xf32, #tpu.memory_space<vmem>>, %arg5: memref<1000x1xf32, #tpu.memory_space<vmem>>, %arg6: memref<128x128xf32, #tpu.memory_space<vmem>>, %arg7: memref<128x128xf32, #tpu.memory_space<vmem>>, %arg8: memref<1x128xf32, #tpu.memory_space<vmem>>, %arg9: memref<128x128xf32, #tpu.memory_space<vmem>>, %arg10: memref<1x128xf32, #tpu.memory_space<vmem>>, %arg11: memref<1x128xf32, #tpu.memory_space<vmem>>, %arg12: memref<1x128xf32, #tpu.memory_space<vmem>>, %arg13: memref<1000x128xf32, #tpu.memory_space<vmem>>) attributes {dimension_semantics = [#tpu.dimension_semantics<arbitrary>], iteration_bounds = array<i64: 10>, scalar_prefetch = 0 : i64, scratch_operands = 0 : i64, tpu.core_type = #tpu.core_type<tc>, window_params = [{transform_indices = @transform_0, window_bounds = array<i64: 1000, 128>}, {transform_indices = @transform_1, window_bounds = array<i64: 1000, 128>}, {transform_indices = @transform_2, window_bounds = array<i64: 1000, 128>}, {transform_indices = @transform_3, window_bounds = array<i64: 1, 32, 1000>}, {transform_indices = @transform_4, window_bounds = array<i64: 1000, 1>}, {pipeline_mode = #tpu.pipeline_mode<synchronous>, transform_indices = @transform_5, window_bounds = array<i64: 128, 128>}, {pipeline_mode = #tpu.pipeline_mode<synchronous>, transform_indices = @transform_6, window_bounds = array<i64: 128, 128>}, {pipeline_mode = #tpu.pipeline_mode<synchronous>, transform_indices = @transform_7, window_bounds = array<i64: 1, 128>}, {pipeline_mode = #tpu.pipeline_mode<synchronous>, transform_indices = @transform_8, window_bounds = array<i64: 128, 128>}, {pipeline_mode = #tpu.pipeline_mode<synchronous>, transform_indices = @transform_9, window_bounds = array<i64: 1, 128>}, {pipeline_mode = #tpu.pipeline_mode<synchronous>, transform_indices = @transform_10, window_bounds = array<i64: 1, 128>}, {pipeline_mode = #tpu.pipeline_mode<synchronous>, transform_indices = @transform_11, window_bounds = array<i64: 1, 128>}, {transform_indices = @transform_12, window_bounds = array<i64: 1000, 128>}]} {
    %get3A = arith.constant 0 : index
    %get3A_0 = arith.constant 0 : index
    %get3A_1 = vector.load %arg1[%get3A, %get3A_0] : memref<1000x128xf32, #tpu.memory_space<vmem>>, vector<1000x128xf32>
    %get3A_2 = arith.constant 0 : index
    %get3A_3 = arith.constant 0 : index
    %get3A_4 = vector.load %arg2[%get3A_2, %get3A_3] : memref<1000x128xf32, #tpu.memory_space<vmem>>, vector<1000x128xf32>
    %get3A_5 = arith.constant 0 : index
    %get3A_6 = arith.constant 0 : index
    %get3A_7 = vector.load %arg3[%get3A_5, %get3A_6] : memref<1000x128xf32, #tpu.memory_space<vmem>>, vector<1000x128xf32>
    %add3A = arith.addf %get3A_4, %get3A_7 : vector<1000x128xf32>
    %get3A_8 = arith.constant 0 : index
    %get3A_9 = arith.constant 0 : index
    %get3A_10 = arith.constant 0 : index
    %get3A_11 = vector.load %arg4[%get3A_8, %get3A_9, %get3A_10] : memref<1x32x1000xf32, #tpu.memory_space<vmem>>, vector<1x32x1000xf32>
    %get3A_12 = vector.shape_cast %get3A_11 : vector<1x32x1000xf32> to vector<32x1000xf32>
    %reduce_sum3A = arith.constant dense<0.000000e+00> : vector<1000xf32>
    %reduce_sum3A_13 = vector.multi_reduction <add>, %get3A_12, %reduce_sum3A [0] : vector<32x1000xf32> to vector<1000xf32>
    %broadcast_in_dim3A = vector.shape_cast %reduce_sum3A_13 : vector<1000xf32> to vector<1x1000xf32>
    %max3A = arith.constant 1.000000e+00 : f32
    %max3A_14 = vector.broadcast %max3A : f32 to vector<1x1000xf32>
    %max3A_15 = arith.maximumf %broadcast_in_dim3A, %max3A_14 : vector<1x1000xf32>
    %div3A = arith.constant 1.000000e+00 : f32
    %div3A_16 = vector.broadcast %div3A : f32 to vector<1x1000xf32>
    %div3A_17 = arith.divf %div3A_16, %max3A_15 : vector<1x1000xf32>
    %iota3A = tpu.iota {dimensions = array<i32: 0>} : vector<1000x1000xi32>
    %iota3A_18 = tpu.iota {dimensions = array<i32: 1>} : vector<1000x1000xi32>
    %eq3A = arith.cmpi eq, %iota3A, %iota3A_18 : vector<1000x1000xi32>
    %jit3A = arith.constant 0.000000e+00 : f32
    %broadcast_in_dim3A_19 = vector.shape_cast %div3A_17 : vector<1x1000xf32> to vector<1x1000xf32>
    %broadcast_in_dim3A_20 = vector.broadcast %broadcast_in_dim3A_19 : vector<1x1000xf32> to vector<1000x1000xf32>
    %broadcast_in_dim3A_21 = vector.broadcast %jit3A : f32 to vector<1000x1000xf32>
    %select_n3A = arith.select %eq3A, %broadcast_in_dim3A_20, %broadcast_in_dim3A_21 : vector<1000x1000xi1>, vector<1000x1000xf32>
    %dot_general3A = arith.constant dense<0.000000e+00> : vector<1000x128xf32>
    %dot_general3A_22 = tpu.matmul %select_n3A, %add3A, %dot_general3A {dimension_numbers = #tpu.dot_dimension_numbers<[1], [0], [0], [1], [0, 0, 1, 1], [], []>, transpose_lhs_hint = false} : vector<1000x1000xf32>, vector<1000x128xf32>, vector<1000x128xf32> -> vector<1000x128xf32>
    %get3A_23 = arith.constant 0 : index
    %get3A_24 = arith.constant 0 : index
    %get3A_25 = vector.load %arg6[%get3A_23, %get3A_24] : memref<128x128xf32, #tpu.memory_space<vmem>>, vector<128x128xf32>
    %dot_general3A_26 = arith.constant dense<0.000000e+00> : vector<1000x128xf32>
    %dot_general3A_27 = tpu.matmul %get3A_1, %get3A_25, %dot_general3A_26 {dimension_numbers = #tpu.dot_dimension_numbers<[1], [0], [0], [1], [0, 0, 1, 1], [], []>, transpose_lhs_hint = false} : vector<1000x128xf32>, vector<128x128xf32>, vector<1000x128xf32> -> vector<1000x128xf32>
    %get3A_28 = arith.constant 0 : index
    %get3A_29 = arith.constant 0 : index
    %get3A_30 = vector.load %arg7[%get3A_28, %get3A_29] : memref<128x128xf32, #tpu.memory_space<vmem>>, vector<128x128xf32>
    %dot_general3A_31 = arith.constant dense<0.000000e+00> : vector<1000x128xf32>
    %dot_general3A_32 = tpu.matmul %dot_general3A_22, %get3A_30, %dot_general3A_31 {dimension_numbers = #tpu.dot_dimension_numbers<[1], [0], [0], [1], [0, 0, 1, 1], [], []>, transpose_lhs_hint = false} : vector<1000x128xf32>, vector<128x128xf32>, vector<1000x128xf32> -> vector<1000x128xf32>
    %add3A_33 = arith.addf %dot_general3A_27, %dot_general3A_32 : vector<1000x128xf32>
    %get3A_34 = arith.constant 0 : index
    %get3A_35 = arith.constant 0 : index
    %get3A_36 = vector.load %arg8[%get3A_34, %get3A_35] : memref<1x128xf32, #tpu.memory_space<vmem>>, vector<1x128xf32>
    %add3A_37 = vector.broadcast %get3A_36 : vector<1x128xf32> to vector<1000x128xf32>
    %add3A_38 = arith.addf %add3A_33, %add3A_37 : vector<1000x128xf32>
    %neg3A = arith.constant 0.000000e+00 : f32
    %neg3A_39 = vector.broadcast %neg3A : f32 to vector<1000x128xf32>
    %neg3A_40 = arith.subf %neg3A_39, %add3A_38 : vector<1000x128xf32>
    %exp3A = math.exp %neg3A_40 : vector<1000x128xf32>
    %add3A_41 = arith.constant 1.000000e+00 : f32
    %add3A_42 = vector.broadcast %add3A_41 : f32 to vector<1000x128xf32>
    %add3A_43 = arith.addf %add3A_42, %exp3A : vector<1000x128xf32>
    %div3A_44 = arith.constant 1.000000e+00 : f32
    %div3A_45 = vector.broadcast %div3A_44 : f32 to vector<1000x128xf32>
    %div3A_46 = arith.divf %div3A_45, %add3A_43 : vector<1000x128xf32>
    %mul3A = arith.mulf %add3A_38, %div3A_46 : vector<1000x128xf32>
    %get3A_47 = arith.constant 0 : index
    %get3A_48 = arith.constant 0 : index
    %get3A_49 = vector.load %arg9[%get3A_47, %get3A_48] : memref<128x128xf32, #tpu.memory_space<vmem>>, vector<128x128xf32>
    %dot_general3A_50 = arith.constant dense<0.000000e+00> : vector<1000x128xf32>
    %dot_general3A_51 = tpu.matmul %mul3A, %get3A_49, %dot_general3A_50 {dimension_numbers = #tpu.dot_dimension_numbers<[1], [0], [0], [1], [0, 0, 1, 1], [], []>, transpose_lhs_hint = false} : vector<1000x128xf32>, vector<128x128xf32>, vector<1000x128xf32> -> vector<1000x128xf32>
    %get3A_52 = arith.constant 0 : index
    %get3A_53 = arith.constant 0 : index
    %get3A_54 = vector.load %arg10[%get3A_52, %get3A_53] : memref<1x128xf32, #tpu.memory_space<vmem>>, vector<1x128xf32>
    %add3A_55 = vector.broadcast %get3A_54 : vector<1x128xf32> to vector<1000x128xf32>
    %add3A_56 = arith.addf %dot_general3A_51, %add3A_55 : vector<1000x128xf32>
    %add3A_57 = arith.addf %get3A_1, %add3A_56 : vector<1000x128xf32>
    %reduce_sum3A_58 = arith.constant dense<0.000000e+00> : vector<1000xf32>
    %reduce_sum3A_59 = vector.multi_reduction <add>, %add3A_57, %reduce_sum3A_58 [1] : vector<1000x128xf32> to vector<1000xf32>
    %broadcast_in_dim3A_60 = vector.shape_cast %reduce_sum3A_59 : vector<1000xf32> to vector<1000x1xf32>
    %div3A_61 = arith.constant 1.280000e+02 : f32
    %div3A_62 = vector.broadcast %div3A_61 : f32 to vector<1000x1xf32>
    %div3A_63 = arith.divf %broadcast_in_dim3A_60, %div3A_62 : vector<1000x1xf32>
    %sub3A = vector.broadcast %div3A_63 : vector<1000x1xf32> to vector<1000x128xf32>
    %sub3A_64 = arith.subf %add3A_57, %sub3A : vector<1000x128xf32>
    %mul3A_65 = arith.mulf %sub3A_64, %sub3A_64 : vector<1000x128xf32>
    %reduce_sum3A_66 = arith.constant dense<0.000000e+00> : vector<1000xf32>
    %reduce_sum3A_67 = vector.multi_reduction <add>, %mul3A_65, %reduce_sum3A_66 [1] : vector<1000x128xf32> to vector<1000xf32>
    %broadcast_in_dim3A_68 = vector.shape_cast %reduce_sum3A_67 : vector<1000xf32> to vector<1000x1xf32>
    %div3A_69 = arith.constant 1.280000e+02 : f32
    %div3A_70 = vector.broadcast %div3A_69 : f32 to vector<1000x1xf32>
    %div3A_71 = arith.divf %broadcast_in_dim3A_68, %div3A_70 : vector<1000x1xf32>
    %add3A_72 = arith.constant 9.99999974E-6 : f32
    %add3A_73 = vector.broadcast %add3A_72 : f32 to vector<1000x1xf32>
    %add3A_74 = arith.addf %div3A_71, %add3A_73 : vector<1000x1xf32>
    %rsqrt3A = math.rsqrt %add3A_74 : vector<1000x1xf32>
    %mul3A_75 = vector.broadcast %rsqrt3A : vector<1000x1xf32> to vector<1000x128xf32>
    %mul3A_76 = arith.mulf %sub3A_64, %mul3A_75 : vector<1000x128xf32>
    %get3A_77 = arith.constant 0 : index
    %get3A_78 = arith.constant 0 : index
    %get3A_79 = vector.load %arg11[%get3A_77, %get3A_78] : memref<1x128xf32, #tpu.memory_space<vmem>>, vector<1x128xf32>
    %mul3A_80 = vector.broadcast %get3A_79 : vector<1x128xf32> to vector<1000x128xf32>
    %mul3A_81 = arith.mulf %mul3A_76, %mul3A_80 : vector<1000x128xf32>
    %get3A_82 = arith.constant 0 : index
    %get3A_83 = arith.constant 0 : index
    %get3A_84 = vector.load %arg12[%get3A_82, %get3A_83] : memref<1x128xf32, #tpu.memory_space<vmem>>, vector<1x128xf32>
    %add3A_85 = vector.broadcast %get3A_84 : vector<1x128xf32> to vector<1000x128xf32>
    %add3A_86 = arith.addf %mul3A_81, %add3A_85 : vector<1000x128xf32>
    %get3A_87 = arith.constant 0 : index
    %get3A_88 = arith.constant 0 : index
    %get3A_89 = vector.load %arg5[%get3A_87, %get3A_88] : memref<1000x1xf32, #tpu.memory_space<vmem>>, vector<1000x1xf32>
    %eq3A_90 = arith.constant 1.000000e+00 : f32
    %eq3A_91 = vector.broadcast %eq3A_90 : f32 to vector<1000x1xf32>
    %eq3A_92 = arith.cmpf oeq, %get3A_89, %eq3A_91 : vector<1000x1xf32>
    %broadcast_in_dim3A_93 = vector.shape_cast %eq3A_92 : vector<1000x1xi1> to vector<1000x1xi1>
    %broadcast_in_dim3A_94 = vector.broadcast %broadcast_in_dim3A_93 : vector<1000x1xi1> to vector<1000x128xi1>
    %select_n3A_95 = arith.select %broadcast_in_dim3A_94, %add3A_86, %get3A_1 : vector<1000x128xi1>, vector<1000x128xf32>
    %swap3A = arith.constant 0 : index
    %swap3A_96 = arith.constant 0 : index
    %swap3A_97 = vector.load %arg13[%swap3A, %swap3A_96] : memref<1000x128xf32, #tpu.memory_space<vmem>>, vector<1000x128xf32>
    tpu.vector_store %arg13[%swap3A, %swap3A_96], %select_n3A_95 {strides = array<i32>} : memref<1000x128xf32, #tpu.memory_space<vmem>>, vector<1000x128xf32>,
    return
  }
  func.func @transform_0(%arg0: i32) -> (i32, i32) {
    %c0_i32 = arith.constant 0 : i32
    %c0_i32_0 = arith.constant 0 : i32
    return %arg0, %c0_i32 : i32, i32
  }
  func.func @transform_1(%arg0: i32) -> (i32, i32) {
    %c0_i32 = arith.constant 0 : i32
    %c0_i32_0 = arith.constant 0 : i32
    return %arg0, %c0_i32 : i32, i32
  }
  func.func @transform_2(%arg0: i32) -> (i32, i32) {
    %c0_i32 = arith.constant 0 : i32
    %c0_i32_0 = arith.constant 0 : i32
    return %arg0, %c0_i32 : i32, i32
  }
  func.func @transform_3(%arg0: i32) -> (i32, i32, i32) {
    %c0_i32 = arith.constant 0 : i32
    %c0_i32_0 = arith.constant 0 : i32
    %c0_i32_1 = arith.constant 0 : i32
    return %arg0, %c0_i32, %c0_i32_0 : i32, i32, i32
  }
  func.func @transform_4(%arg0: i32) -> (i32, i32) {
    %c0_i32 = arith.constant 0 : i32
    %c0_i32_0 = arith.constant 0 : i32
    return %arg0, %c0_i32 : i32, i32
  }
  func.func @transform_5(%arg0: i32) -> (i32, i32) {
    %c0_i32 = arith.constant 0 : i32
    %c0_i32_0 = arith.constant 0 : i32
    %c0_i32_1 = arith.constant 0 : i32
    return %c0_i32, %c0_i32_0 : i32, i32
  }
  func.func @transform_6(%arg0: i32) -> (i32, i32) {
    %c0_i32 = arith.constant 0 : i32
    %c0_i32_0 = arith.constant 0 : i32
    %c0_i32_1 = arith.constant 0 : i32
    return %c0_i32, %c0_i32_0 : i32, i32
  }
  func.func @transform_7(%arg0: i32) -> (i32, i32) {
    %c0_i32 = arith.constant 0 : i32
    %c0_i32_0 = arith.constant 0 : i32
    %c0_i32_1 = arith.constant 0 : i32
    return %c0_i32, %c0_i32_0 : i32, i32
  }
  func.func @transform_8(%arg0: i32) -> (i32, i32) {
    %c0_i32 = arith.constant 0 : i32
    %c0_i32_0 = arith.constant 0 : i32
    %c0_i32_1 = arith.constant 0 : i32
    return %c0_i32, %c0_i32_0 : i32, i32
  }
  func.func @transform_9(%arg0: i32) -> (i32, i32) {
    %c0_i32 = arith.constant 0 : i32
    %c0_i32_0 = arith.constant 0 : i32
    %c0_i32_1 = arith.constant 0 : i32
    return %c0_i32, %c0_i32_0 : i32, i32
  }
  func.func @transform_10(%arg0: i32) -> (i32, i32) {
    %c0_i32 = arith.constant 0 : i32
    %c0_i32_0 = arith.constant 0 : i32
    %c0_i32_1 = arith.constant 0 : i32
    return %c0_i32, %c0_i32_0 : i32, i32
  }
  func.func @transform_11(%arg0: i32) -> (i32, i32) {
    %c0_i32 = arith.constant 0 : i32
    %c0_i32_0 = arith.constant 0 : i32
    %c0_i32_1 = arith.constant 0 : i32
    return %c0_i32, %c0_i32_0 : i32, i32
  }
  func.func @transform_12(%arg0: i32) -> (i32, i32) {
    %c0_i32 = arith.constant 0 : i32
    %c0_i32_0 = arith.constant 0 : i32
    return %arg0, %c0_i32 : i32, i32
  }
}

</mosaic_0001>

<sc_bundles>
// kernel: kernel.10.cloned.1.call-start
scs
__scs_entry_jumppad:
0x0: {  	(pc) =	sbr.rel $0x88, $3  }
0x1: {  	(tag) =	ssettag $0x0;
	lr =	simm.s32 $0x1  }
0x2: {  	[smem:$0x3F91] =	sst lr;
	_ =	strace $0xD0000000  }
0x3: {  	_ = 	snop  }
0x4: {  	_ = 	snop  }
0x5: {  	_ = 	snop  }
0x6: {  	_ = 	snop  }
0x7: {  	_ = 	snop  }
__scs_overlays_trampoline_lowered:
0x8: {  	[smem:$0x3FA0] =	sst s0  }
0x9: {  	[smem:$0x3FA1] =	sst s1  }
0xa: {  	[smem:$0x3FA2] =	sst s2  }
0xb: {  	[smem:$0x3FA3] =	sst s3  }
0xc: {  	[smem:$0x3FA4] =	sst s4  }
0xd: {  	[smem:$0x3FA5] =	sst s5  }
0xe: {  	[smem:$0x3FA6] =	sst s6  }
0xf: {  	[smem:$0x3FA7] =	sst s7  }
0x10: {  	[smem:$0x3FA8] =	sst s8  }
0x11: {  	[smem:$0x3FA9] =	sst s9;
	s0 =	simm.s32 @!p0 $0x0  }
0x12: {  	s1 =	sld [smem:$0x3F8F];
	s0 =	simm.s32 @p0 $0x1  }
0x13: {  	[smem:$0x3FAA] =	sst s0;
	s0 =	simm.s32 @!p1 $0x0  }
0x14: {  	s2 =	sld [smem:$0x3F8E];
	s0 =	simm.s32 @p1 $0x1  }
0x15: {  	[smem:$0x3FAB] =	sst s0;
	s0 =	simm.s32 @!p2 $0x0  }
0x16: {  	s3 =	sld [smem:$0x3FDB];
	s0 =	simm.s32 @p2 $0x1  }
0x17: {  	s4 =	simm.s32 $0x1BF5;
	[smem:$0x3FAD] =	sst s0  }
0x18: {  	s0 =	sld [smem:$0x3F90];
	_ =	swait.ge [sflag:s4], $0x0  }
0x19: {  	s7 =	sld [smem:$0x3F91]  }
0x1a: {  	s8 =	sadd.s32 $0xFFFFE003, lr  }
0x1b: {  	s9 =	sadd.s32 $0xFFFFFEF7, lr;
	s5 =	simm.s32 $0xFFFFFFFF;
	p2 =	slt.u32 s8, $0xFFFFF086  }
0x1c: {  	p1 =	slt.u32 s9, $0xF7A;
	s5 =	simm.s32 @!p2 $0x0  }
0x1d: {  	s5 =	simm.s32 @p1 $0x1;
	p0 =	seq.s32 s7, s2  }
0x1e: {  	s7 =	smul.u32 @!p0 $0xF7A, s2;
	p2 =	seq.s32 @!p0 s5, $0x0  }
0x1f: {  	s9 =	smul.u32 $0xF7A, s1;
	s8 =	simm.s32 @!p0 $0x1BF5;
	p2 =	por !p2, p0  }
0x20: {  	[sflag:s8] =	ssyncset.s32 @!p0 $0xFFFFF086;
	s6 =	sadd.s32 @!p0 s3, s7;
	s7 =	simm.s32 @!p0 $0x108  }
0x21: {  	s3 =	sadd.s32 s3, s9;
	s6 =	sadd.s32 @!p0 $0x88, s6;
	s7 =	simm.s32 @p2 $0x1082  }
0x22: {  	[simem:s7], [sflag:s8] =	dma.local @!p0 [hbm:s6], $0xF7A  }
0x23: {  	s9 =	sor.u32 $0xD0000000, s2;
	s6 =	simm.s32 $0x108;
	_ =	swait.ge @!p0 [sflag:s8], $0x0  }
0x24: {  	s3 =	sadd.s32 $0x88, s3;
	s6 =	simm.s32 @!p1 $0x1082;
	[sflag:s4] =	ssyncset.s32 $0xFFFFF086  }
0x25: {  	[simem:s6], [sflag:s4] =	dma.local [hbm:s3], $0xF7A  }
0x26: {  	[smem:$0x3F91] =	sst s1;
	(tag) =	ssettag s2;
	_ =	strace s9  }
0x27: {  	s1 =	sld [smem:$0x3FA1]  }
0x28: {  	s2 =	sld [smem:$0x3FA2]  }
0x29: {  	s4 =	sld [smem:$0x3FA4]  }
0x2a: {  	p0 =	seq.s32 s5, $0x0;
	s5 =	sld [smem:$0x3FA5]  }
0x2b: {  	s6 =	sld [smem:$0x3FA6]  }
0x2c: {  	s7 =	sld [smem:$0x3FA7]  }
0x2d: {  	s3 =	simm.s32 $0x108;
	s8 =	sld [smem:$0x3FA8]  }
0x2e: {  	s3 =	simm.s32 @!p0 $0x1082;
	s9 =	sld [smem:$0x3FA9]  }
0x2f: {  	lr =	sadd.s32 s0, s3;
	s0 =	sld [smem:$0x3FA0]  }
0x30: {  	s3 =	sld [smem:$0x3FA3]  }
0x31: {  	[smem:$0x3FAC] =	sst s10  }
0x32: {  	s10 =	sld [smem:$0x3FAA];
	_ =	sdelay $0x3  }
0x33: {  	p0 =	seq.s32 s10, $0x1;
	s10 =	sld [smem:$0x3FAC];
	_ =	sdelay $0x3  }
0x34: {  	[smem:$0x3FAC] =	sst s10  }
0x35: {  	s10 =	sld [smem:$0x3FAB];
	_ =	sdelay $0x3  }
0x36: {  	p1 =	seq.s32 s10, $0x1;
	s10 =	sld [smem:$0x3FAC];
	_ =	sdelay $0x3  }
0x37: {  	[smem:$0x3FAC] =	sst s10  }
0x38: {  	s10 =	sld [smem:$0x3FAD]  }
0x39: {  	_ = 	snop;
	(pc) =	sbr.ind lr, $3  }
0x3a: {  	_ = 	snop  }
0x3b: {  	_ = 	snop  }
0x3c: {  	p2 =	seq.s32 s10, $0x1;
	s10 =	sld [smem:$0x3FAC]  }
0x3d: {  	_ =	shalt  }
0x3e: {  	_ =	shalt  }
0x3f: {  	_ =	shalt  }
0x40: {  	_ =	shalt  }
0x41: {  	_ =	shalt  }
0x42: {  	_ =	shalt  }
0x43: {  	_ =	shalt  }
0x44: {  	_ =	shalt  }
0x45: {  	_ =	shalt  }
0x46: {  	_ =	shalt  }
0x47: {  	_ =	shalt  }
0x48: {  	_ =	shalt  }
0x49: {  	_ =	shalt  }
0x4a: {  	_ =	shalt  }
0x4b: {  	_ =	shalt  }
0x4c: {  	_ =	shalt  }
0x4d: {  	_ =	shalt  }
0x4e: {  	_ =	shalt  }
0x4f: {  	_ =	shalt  }
0x50: {  	_ =	shalt  }
0x51: {  	_ =	shalt  }
0x52: {  	_ =	shalt  }
0x53: {  	_ =	shalt  }
0x54: {  	_ =	shalt  }
0x55: {  	_ =	shalt  }
0x56: {  	_ =	shalt  }
0x57: {  	_ =	shalt  }
0x58: {  	_ =	shalt  }
0x59: {  	_ =	shalt  }
0x5a: {  	_ =	shalt  }
0x5b: {  	_ =	shalt  }
0x5c: {  	_ =	shalt  }
0x5d: {  	_ =	shalt  }
0x5e: {  	_ =	shalt  }
0x5f: {  	_ =	shalt  }
0x60: {  	_ =	shalt  }
0x61: {  	_ =	shalt  }
0x62: {  	_ =	shalt  }
0x63: {  	_ =	shalt  }
0x64: {  	_ =	shalt  }
0x65: {  	_ =	shalt  }
0x66: {  	_ =	shalt  }
0x67: {  	_ =	shalt  }
0x68: {  	_ =	shalt  }
0x69: {  	_ =	shalt  }
0x6a: {  	_ =	shalt  }
0x6b: {  	_ =	shalt  }
0x6c: {  	_ =	shalt  }
0x6d: {  	_ =	shalt  }
0x6e: {  	_ =	shalt  }
0x6f: {  	_ =	shalt  }
0x70: {  	_ =	shalt  }
0x71: {  	_ =	shalt  }
0x72: {  	_ =	shalt  }
0x73: {  	_ =	shalt  }
0x74: {  	_ =	shalt  }
0x75: {  	_ =	shalt  }
0x76: {  	_ =	shalt  }
0x77: {  	_ =	shalt  }
0x78: {  	_ =	shalt  }
0x79: {  	_ =	shalt  }
0x7a: {  	_ =	shalt  }
0x7b: {  	_ =	shalt  }
0x7c: {  	_ =	shalt  }
0x7d: {  	_ =	shalt  }
0x7e: {  	_ =	shalt  }
0x7f: {  	_ =	shalt  }
0x80: {  	_ =	shalt  }
0x81: {  	_ =	shalt  }
0x82: {  	_ =	shalt  }
0x83: {  	_ =	shalt  }
0x84: {  	_ =	shalt  }
0x85: {  	_ =	shalt  }
0x86: {  	_ =	shalt  }
0x87: {  	_ =	shalt  }
.Lfunc_end0:
.L_simem_size_0:
called_computation.1_lowered:
.L_overlay_start_0:
0x88: {  	s2 =	sld [smem:$0x3FD9]  }
0x89: {  	s3 =	sld [smem:$0x3FFE];
	_ =	sdelay $0x1  }
0x8a: {  	s1 =	srdreg.scid  }
0x8b: {  	s0 =	sand.u32 $0x1, s1  }
0x8c: {  	s17 =	sshll.u32 s0, $0xA;
	s2 =	sadd.s32 s3, s2  }
0x8d: {  	s2 =	sadd.s32 s2, s17  }
0x8e: {  	[smem:$0x3FB8] =	sst s2  }
0x8f: {  	_ = 	snop  }
0x90: {  	s2 =	sld [smem:$0x3FD0];
	(tm) =	ssettm $0x1  }
0x91: {  	s18 =	sld [smem:$0x3FFB];
	_ =	sdelay $0x3  }
0x92: {  	_ =	strace s18  }
0x93: {  	s3 =	sld [smem:$0x3FFC];
	_ =	sdelay $0x3  }
0x94: {  	_ =	strace s3  }
0x95: {  	s3 =	sld [smem:$0x3FFD];
	_ =	sdelay $0x3  }
0x96: {  	_ =	strace s3  }
0x97: {  	_ =	strace $0x8FFFFFFF  }
0x98: {  	s19 =	sld [smem:$0x3FDB];
	_ =	sdelay $0x1  }
0x99: {  	s4 =	simm.s32 $_scs_section_size  }
0x9a: {  	s5 =	simm.s32 $_size__tile_overlayer_lowered;
	s6 =	simm.s32 $_tile_overlayer_lowered  }
0x9b: {  	s22 =	simm.s32 $0x1BFF;
	s21 =	sshll.u32 s6, $0x1;
	s3 =	sadd.s32 s4, s19  }
0x9c: {  	s7 =	simm.s32 $0x0;
	s20 =	sshll.u32 s5, $0x1;
	s5 =	sadd.s32 s21, s3  }
0x9d: {  	[timem:s7], [sflag:s22] =	dma.local [hbm:s5], s20  }
0x9e: {  	_ =	swait.ge [sflag:s22], s20  }
0x9f: {  	s4 =	ssub.s32 $0x0, s20;
	[sflag:s22] =	ssyncset.done $0x0  }
0xa0: {  	[sflag:s22] =	ssyncadd.s32 s4;
	_ =	sdelay $0x1  }
0xa1: {  	s23 =	simm.s32 $0x1B8B  }
0xa2: {  	_ =	swait.ge [sflag:s23], $0x1  }
0xa3: {  	[sflag:s23] =	ssyncset.done $0x0  }
0xa4: {  	s25 =	simm.s32 $0x1B8E;
	s24 =	sld [smem:$0x3FFE];
	[sflag:s23] =	ssyncadd.s32 $0xFFFFFFFF  }
0xa5: {  	s26 =	simm.s32 $execute0_lowered;
	[smem:$0x3FD2] =	sst s25  }
0xa6: {  	s5 =	sshll.u32 s26, $0x1;
	_ =	strace $0x80000049;
	[dreg:$0x1] =	wrdreg $0xFFFFFFFF  }
0xa7: {  	s28 =	simm.s32 $_size_execute0_lowered;
	s3 =	sadd.s32 s3, s5;
	[dreg:$0x0] =	wrdreg $0x0  }
0xa8: {  	s5 =	sshll.u32 s28, $0x1;
	[dreg:$0x2] =	wrdreg s3  }
0xa9: {  	[dreg:$0x3] =	wrdreg s5  }
0xaa: {  	[dreg:$0x4] =	wrdreg $0xC0  }
0xab: {  	_ =	task [dreg:s7], $0x5FFFF  }
0xac: {  	[dreg:$0x1] =	wrdreg $0xFFFFFFFF  }
0xad: {  	[dreg:$0x0] =	wrdreg $0x60  }
0xae: {  	[dreg:$0x2] =	wrdreg s24  }
0xaf: {  	[dreg:$0x3] =	wrdreg s2  }
0xb0: {  	[dreg:$0x4] =	wrdreg $0x0  }
0xb1: {  	[dreg:$0x5] =	wrdreg $0x9  }
0xb2: {  	_ =	task.clear_ibuf [dreg:s7], $0x6FFFF;
	_ =	strace $0x90000049  }
0xb3: {  	s29 =	simm.s32 $0x9;
	_ =	strace $0x8000004B  }
0xb4: {  	_ =	swait.ge [sflag:s29], $0x1  }
0xb5: {  	[sflag:s29] =	ssyncadd.s32 $0xFFFFFFFF  }
0xb6: {  	_ =	strace $0x9000004B  }
0xb7: {  	_ =	sfence  }
0xb8: {  	s30 =	sld [smem:$0x0];
	_ =	sdelay $0x2  }
0xb9: {  	s31 =	sshll.u32 s1, $0xD;
	s1 =	sshrl.u32 s1, $0x2  }
0xba: {  	s3 =	sand.u32 $0x4000, s31;
	s1 =	sadd.s32 s1, s30  }
0xbb: {  	s0 =	sor.u32 s3, s0;
	s1 =	sshll.u32 s1, $0x11  }
0xbc: {  	s0 =	sor.u32 s1, s0  }
0xbd: {  	s0 =	sadd.s32 $0x8F2B, s0  }
0xbe: {  	[sflag:s0] =	ssyncadd.remote.s32 $0x1  }
0xbf: {  	_ =	sfence.sel $0xFFFF  }
0xc0: {  	[dreg:$0x0] =	wrdreg $0xFFFFFFFF;
	(pc) =	sbr.abs _section_cstart, $3  }
0xc1: {  	[dreg:$0x1] =	wrdreg $0xFFFFFFFF  }
0xc2: {  	_ =	task.clear_ibuf [dreg:s7], $0x2FFFF;
	_ =	strace $0x9FFFFFFF  }
0xc3: {  	(tm) =	ssettm $0x7FFFFFFF  }
tec
execute0_lowered:
.L_overlay_start_1:
0x0: {  	(tag) =	ssettag $0x1  }
0x1: {  	s3 =	rddreg [dreg:$0x0]  }
0x2: {  	s5 =	rddreg [dreg:$0x1]  }
0x3: {  	s1 =	rddreg [dreg:$0x2]  }
0x4: {  	s0 =	rddreg [dreg:$0x3];
	s11 =	stileid.u32  }
0x5: {  	s2 =	simm.s32 $0x0;
	s7 =	srdreg.scid;
	s4 =	smul.u32 $0x4E200, s11  }
0x6: {  	s19 =	simm.s32 $0x1;
	s20 =	simm.s32 $0x0;
	s6 =	smul.u32 $0xC80, s11  }
0x7: {  	[smem:$0x7FF] =	sst s2;
	s7 =	sand.u32 $0x1, s7;
	s24 =	smul.u32 $0x4E000, s11  }
0x8: {  	s9 =	smul.u32 $0x13800, s11;
	s12 =	sadd.s32 $0xA22C00, s3;
	s29 =	sshll.u32 s11, $0x6  }
0x9: {  	s15 =	sadd.s32 $0x138000, s1;
	p0 =	sne.s32 s11, $0x0;
	s30 =	smul.u32 $0x138800, s7  }
0xa: {  	_ =	strace $0x8000004A;
	s25 =	ssub.s32 $0x2, s7;
	s16 =	smul.u32 $0x640, s7  }
0xb: {  	s18 =	smul.u32 $0x27100, s7;
	s10 =	sadd.s32 s4, s3;
	s8 =	sadd.s32 s6, s3  }
0xc: {  	s26 =	sshrl.u32 s25, $0x1;
	s4 =	sshrl.u32 s24, $0x2;
	s28 =	sshrl.u32 s9, $0x3  }
0xd: {  	s13 =	ssub.s32 s25, s26;
	s14 =	sadd.s32 s4, s1;
	s3 =	sadd.s32 s5, s28  }
0xe: {  	s4 =	sor.u32 $0x1C02, s29;
	s5 =	sadd.s32 $0x27000, s5;
	s9 =	sadd.s32 s9, s30  }
0xf: {  	s6 =	sshrl.u32 s30, $0x3;
	s31 =	sadd.s32 s16, s8;
	s10 =	sadd.s32 s18, s10  }
0x10: {  	s16 =	simm.s32 $0x64;
	s18 =	simm.s32 $0x16A80;
	s9 =	sshrl.u32 s9, $0x3  }
0x11: {  	s17 =	sadd.s32 s12, s6;
	s8 =	smax.u32 s13, $0x1;
	s10 =	sadd.s32 $0x13E6C00, s10  }
0x12: {  	s11 =	sshrl.u32 s14, $0x3;
	s13 =	sshrl.u32 @!p0 s15, $0x3;
	s14 =	simm.s32 $0x13880  }
0x13: {  	s15 =	simm.s32 $0x19C80;
	s6 =	sadd.s32 s12, s9;
	s7 =	sadd.s32 $0x27000, s17  }
0x14: {  	s9 =	sadd.s32 $0xA16400, s31;
	s12 =	simm.s32 $0x2;
	s17 =	simm.s32 $0x19D00  }
.LBB2_1:
0x15: {  	[spmem:s11], [sflag:s4] =	dma.local [hbm:s3], $0x2700  }
0x16: {  	_ =	swait.ge [sflag:s12], $0x2700  }
0x17: {  	[sflag:s12] =	ssyncset.done $0x0  }
0x18: {  	s21 =	simm.s32 @!p0 $0x2;
	[sflag:s12] =	ssyncadd.s32 $0xFFFFD900  }
0x19: {  	[spmem:s13], [sflag:s4] =	dma.local @!p0 [hbm:s5], $0x100  }
0x1a: {  	_ =	swait.ge @!p0 [sflag:s21], $0x100  }
0x1b: {  	[sflag:s21] =	ssyncset.done @!p0 $0x0  }
0x1c: {  	[sflag:s21] =	ssyncadd.s32 @!p0 $0xFFFFFF00  }
0x1d: {  	[bflag:$0x0] =	sbarrier.arrive $0xFFFF  }
0x1e: {  	[tilespmem:s14], [sflag:$0x2] =	stream.linear.gather [hbm4b:s10+s2], $0x6400, $0x38;
	[tilespmem:$0x19D80] =	vst v63  }
0x1f: {  	_ =	swait.ge [sflag:s12], $0x6400  }
0x20: {  	[sflag:s12] =	ssyncset.done $0x0  }
0x21: {  	s31 =	sadd.s32 $0x0, s9;
	[sflag:s12] =	ssyncadd.s32 $0xFFFF9C00  }
0x22: {  	[tilespmem:s15], [sflag:$0x2] =	stream.linear.gather [hbm4b:s31+s2], $0x100, $0x38;
	[tilespmem:$0x19D80] =	vst v63  }
0x23: {  	_ =	swait.ge [sflag:s12], $0x100  }
0x24: {  	[sflag:s12] =	ssyncset.done $0x0  }
0x25: {  	[sflag:s12] =	ssyncadd.s32 $0xFFFFFF00  }
0x26: {  	[spmem:s1] =	stream.indirect.scatter.add.f32 [tilespmem:s14], [sflag:$0x1], $0x80, s15, s16, $0xb8;
	[tilespmem:$0x19D80] =	vst v63  }
0x27: {  	_ = 	snop  }
0x28: {  	[spmem:s1] =	stream.indirect.scatter.add.f32 [tilespmem:s18], [sflag:$0x1], $0x80, s17, s16, $0xb8;
	[tilespmem:$0x19D80] =	vst v63  }
0x29: {  	_ =	swait.ge [sflag:s19], $0x3200  }
0x2a: {  	[sflag:s19] =	ssyncset.done $0x0  }
0x2b: {  	[sflag:s19] =	ssyncadd.s32 $0xFFFFCE00  }
0x2c: {  	_ =	swait.ge [sflag:s19], $0x3200  }
0x2d: {  	s22 =	smov.u32 s10;
	s21 =	simm.s32 $0x20;
	[sflag:s19] =	ssyncset.done $0x0  }
.LBB2_2:
0x2e: {  	p1 =	sne.s32 s21, $0x620;
	[sflag:s19] =	ssyncadd.s32 $0xFFFFCE00;
	s22 =	sadd.s32 $0xC80, s22  }
0x2f: {  	[tilespmem:s14], [sflag:$0x2] =	stream.linear.gather [hbm4b:s22+s2], $0x6400, $0x38;
	[tilespmem:$0x19D80] =	vst v63  }
0x30: {  	s23 =	smov.u32 s21;
	s21 =	sadd.s32 $0x20, s21;
	_ =	swait.ge [sflag:s12], $0x6400  }
0x31: {  	[sflag:s12] =	ssyncset.done $0x0  }
0x32: {  	s23 =	sadd.s32 s23, s9;
	[sflag:s12] =	ssyncadd.s32 $0xFFFF9C00  }
0x33: {  	[tilespmem:s15], [sflag:$0x2] =	stream.linear.gather [hbm4b:s23+s2], $0x100, $0x38;
	[tilespmem:$0x19D80] =	vst v63  }
0x34: {  	_ =	swait.ge [sflag:s12], $0x100  }
0x35: {  	[sflag:s12] =	ssyncset.done $0x0  }
0x36: {  	[sflag:s12] =	ssyncadd.s32 $0xFFFFFF00  }
0x37: {  	[spmem:s1] =	stream.indirect.scatter.add.f32 [tilespmem:s14], [sflag:$0x1], $0x80, s15, s16, $0xb8;
	[tilespmem:$0x19D80] =	vst v63  }
0x38: {  	_ = 	snop  }
0x39: {  	[spmem:s1] =	stream.indirect.scatter.add.f32 [tilespmem:s18], [sflag:$0x1], $0x80, s17, s16, $0xb8;
	[tilespmem:$0x19D80] =	vst v63  }
.Ltmp0:
0x3a: {  	_ =	swait.ge [sflag:s19], $0x3200;
	(pc) =	sbr.rel @p1 .LBB2_2-.Ltmp0, $4  }
0x3b: {  	[sflag:s19] =	ssyncset.done $0x0  }
0x3c: {  	[sflag:s19] =	ssyncadd.s32 $0xFFFFCE00  }
0x3d: {  	_ =	swait.ge [sflag:s19], $0x3200  }
0x3e: {  	[sflag:s19] =	ssyncset.done $0x0  }
0x3f: {  	[sflag:s19] =	ssyncadd.s32 $0xFFFFCE00  }
0x40: {  	[bflag:$0x0] =	sbarrier.arrive $0xFFFF  }
0x41: {  	[hbm:s6], [sflag:s4] =	dma.local [spmem:s11], $0x2700  }
0x42: {  	s20 =	sadd.s32 $0x1, s20;
	_ =	swait.ge [sflag:s12], $0x2700  }
0x43: {  	p1 =	sne.s32 s20, s8;
	[sflag:s12] =	ssyncset.done $0x0  }
.Ltmp1:
0x44: {  	s21 =	simm.s32 @!p0 $0x2;
	[sflag:s12] =	ssyncadd.s32 $0xFFFFD900;
	(pc) =	sbr.rel @p1 .LBB2_1-.Ltmp1, $4  }
0x45: {  	[hbm:s7], [sflag:s4] =	dma.local @!p0 [spmem:s13], $0x100  }
0x46: {  	_ =	swait.ge @!p0 [sflag:s21], $0x100  }
0x47: {  	[sflag:s21] =	ssyncset.done @!p0 $0x0  }
0x48: {  	[sflag:s21] =	ssyncadd.s32 @!p0 $0xFFFFFF00  }
0x49: {  	_ =	sfence.sel $0x180000  }
0x4a: {  	[bflag:$0x0] =	sbarrier.arrive $0xFFFF  }
0x4b: {  	_ =	strace $0x9000004A  }
0x4c: {  	s0 =	sadd.s32 @!p0 $0x100000, s0;
	[bflag:$0x2] =	sbarrier.arrive $0xFFFF  }
0x4d: {  	[sflag:s0] =	ssyncadd.tile.s32 @!p0 $0x1;
	_ =	shalt  }
.Lfunc_end2:
_tile_overlayer_lowered:
.L_overlay_start_2:
0x4e: {  	(tag) =	ssettag $0x2  }
0x4f: {  	s0 =	rddreg [dreg:$0x0];
	s2 =	stileid.u32  }
0x50: {  	s1 =	rddreg [dreg:$0x1];
	p0 =	sne.s32 s2, $0x0  }
0x51: {  	s3 =	rddreg [dreg:$0x2];
	[bflag:$0x3] =	sbarrier.arrive $0xFFFF;
	s2 =	simm.s32 @!p0 $0x1C02  }
0x52: {  	[timem:s3], [sflag:s2] =	dma.local @!p0 [hbm:s0], s1  }
0x53: {  	s0 =	simm.s32 @!p0 $0x2  }
0x54: {  	_ =	swait.ge @!p0 [sflag:s0], s1  }
0x55: {  	s1 =	ssub.s32 @!p0 $0x0, s1;
	[sflag:s0] =	ssyncset.done @!p0 $0x0  }
0x56: {  	[sflag:s0] =	ssyncadd.s32 @!p0 s1  }
0x57: {  	[bflag:$0x3] =	sbarrier.arrive $0xFFFF  }
0x58: {  	_ =	shalt  }

// kernel: kernel.7.cloned.1.call-start
scs
__scs_entry_jumppad:
0x0: {  	(pc) =	sbr.rel $0x88, $3  }
0x1: {  	(tag) =	ssettag $0x0;
	lr =	simm.s32 $0x1  }
0x2: {  	[smem:$0x3F91] =	sst lr;
	_ =	strace $0xD0000000  }
0x3: {  	_ = 	snop  }
0x4: {  	_ = 	snop  }
0x5: {  	_ = 	snop  }
0x6: {  	_ = 	snop  }
0x7: {  	_ = 	snop  }
__scs_overlays_trampoline_lowered:
0x8: {  	[smem:$0x3FA0] =	sst s0  }
0x9: {  	[smem:$0x3FA1] =	sst s1  }
0xa: {  	[smem:$0x3FA2] =	sst s2  }
0xb: {  	[smem:$0x3FA3] =	sst s3  }
0xc: {  	[smem:$0x3FA4] =	sst s4  }
0xd: {  	[smem:$0x3FA5] =	sst s5  }
0xe: {  	[smem:$0x3FA6] =	sst s6  }
0xf: {  	[smem:$0x3FA7] =	sst s7  }
0x10: {  	[smem:$0x3FA8] =	sst s8  }
0x11: {  	[smem:$0x3FA9] =	sst s9;
	s0 =	simm.s32 @!p0 $0x0  }
0x12: {  	s1 =	sld [smem:$0x3F8F];
	s0 =	simm.s32 @p0 $0x1  }
0x13: {  	[smem:$0x3FAA] =	sst s0;
	s0 =	simm.s32 @!p1 $0x0  }
0x14: {  	s2 =	sld [smem:$0x3F8E];
	s0 =	simm.s32 @p1 $0x1  }
0x15: {  	[smem:$0x3FAB] =	sst s0;
	s0 =	simm.s32 @!p2 $0x0  }
0x16: {  	s3 =	sld [smem:$0x3FDB];
	s0 =	simm.s32 @p2 $0x1  }
0x17: {  	s4 =	simm.s32 $0x1BF5;
	[smem:$0x3FAD] =	sst s0  }
0x18: {  	s0 =	sld [smem:$0x3F90];
	_ =	swait.ge [sflag:s4], $0x0  }
0x19: {  	s7 =	sld [smem:$0x3F91]  }
0x1a: {  	s8 =	sadd.s32 $0xFFFFE003, lr  }
0x1b: {  	s9 =	sadd.s32 $0xFFFFFEF7, lr;
	s5 =	simm.s32 $0xFFFFFFFF;
	p2 =	slt.u32 s8, $0xFFFFF086  }
0x1c: {  	p1 =	slt.u32 s9, $0xF7A;
	s5 =	simm.s32 @!p2 $0x0  }
0x1d: {  	s5 =	simm.s32 @p1 $0x1;
	p0 =	seq.s32 s7, s2  }
0x1e: {  	s7 =	smul.u32 @!p0 $0xF7A, s2;
	p2 =	seq.s32 @!p0 s5, $0x0  }
0x1f: {  	s9 =	smul.u32 $0xF7A, s1;
	s8 =	simm.s32 @!p0 $0x1BF5;
	p2 =	por !p2, p0  }
0x20: {  	[sflag:s8] =	ssyncset.s32 @!p0 $0xFFFFF086;
	s6 =	sadd.s32 @!p0 s3, s7;
	s7 =	simm.s32 @!p0 $0x108  }
0x21: {  	s3 =	sadd.s32 s3, s9;
	s6 =	sadd.s32 @!p0 $0x88, s6;
	s7 =	simm.s32 @p2 $0x1082  }
0x22: {  	[simem:s7], [sflag:s8] =	dma.local @!p0 [hbm:s6], $0xF7A  }
0x23: {  	s9 =	sor.u32 $0xD0000000, s2;
	s6 =	simm.s32 $0x108;
	_ =	swait.ge @!p0 [sflag:s8], $0x0  }
0x24: {  	s3 =	sadd.s32 $0x88, s3;
	s6 =	simm.s32 @!p1 $0x1082;
	[sflag:s4] =	ssyncset.s32 $0xFFFFF086  }
0x25: {  	[simem:s6], [sflag:s4] =	dma.local [hbm:s3], $0xF7A  }
0x26: {  	[smem:$0x3F91] =	sst s1;
	(tag) =	ssettag s2;
	_ =	strace s9  }
0x27: {  	s1 =	sld [smem:$0x3FA1]  }
0x28: {  	s2 =	sld [smem:$0x3FA2]  }
0x29: {  	s4 =	sld [smem:$0x3FA4]  }
0x2a: {  	p0 =	seq.s32 s5, $0x0;
	s5 =	sld [smem:$0x3FA5]  }
0x2b: {  	s6 =	sld [smem:$0x3FA6]  }
0x2c: {  	s7 =	sld [smem:$0x3FA7]  }
0x2d: {  	s3 =	simm.s32 $0x108;
	s8 =	sld [smem:$0x3FA8]  }
0x2e: {  	s3 =	simm.s32 @!p0 $0x1082;
	s9 =	sld [smem:$0x3FA9]  }
0x2f: {  	lr =	sadd.s32 s0, s3;
	s0 =	sld [smem:$0x3FA0]  }
0x30: {  	s3 =	sld [smem:$0x3FA3]  }
0x31: {  	[smem:$0x3FAC] =	sst s10  }
0x32: {  	s10 =	sld [smem:$0x3FAA];
	_ =	sdelay $0x3  }
0x33: {  	p0 =	seq.s32 s10, $0x1;
	s10 =	sld [smem:$0x3FAC];
	_ =	sdelay $0x3  }
0x34: {  	[smem:$0x3FAC] =	sst s10  }
0x35: {  	s10 =	sld [smem:$0x3FAB];
	_ =	sdelay $0x3  }
0x36: {  	p1 =	seq.s32 s10, $0x1;
	s10 =	sld [smem:$0x3FAC];
	_ =	sdelay $0x3  }
0x37: {  	[smem:$0x3FAC] =	sst s10  }
0x38: {  	s10 =	sld [smem:$0x3FAD]  }
0x39: {  	_ = 	snop;
	(pc) =	sbr.ind lr, $3  }
0x3a: {  	_ = 	snop  }
0x3b: {  	_ = 	snop  }
0x3c: {  	p2 =	seq.s32 s10, $0x1;
	s10 =	sld [smem:$0x3FAC]  }
0x3d: {  	_ =	shalt  }
0x3e: {  	_ =	shalt  }
0x3f: {  	_ =	shalt  }
0x40: {  	_ =	shalt  }
0x41: {  	_ =	shalt  }
0x42: {  	_ =	shalt  }
0x43: {  	_ =	shalt  }
0x44: {  	_ =	shalt  }
0x45: {  	_ =	shalt  }
0x46: {  	_ =	shalt  }
0x47: {  	_ =	shalt  }
0x48: {  	_ =	shalt  }
0x49: {  	_ =	shalt  }
0x4a: {  	_ =	shalt  }
0x4b: {  	_ =	shalt  }
0x4c: {  	_ =	shalt  }
0x4d: {  	_ =	shalt  }
0x4e: {  	_ =	shalt  }
0x4f: {  	_ =	shalt  }
0x50: {  	_ =	shalt  }
0x51: {  	_ =	shalt  }
0x52: {  	_ =	shalt  }
0x53: {  	_ =	shalt  }
0x54: {  	_ =	shalt  }
0x55: {  	_ =	shalt  }
0x56: {  	_ =	shalt  }
0x57: {  	_ =	shalt  }
0x58: {  	_ =	shalt  }
0x59: {  	_ =	shalt  }
0x5a: {  	_ =	shalt  }
0x5b: {  	_ =	shalt  }
0x5c: {  	_ =	shalt  }
0x5d: {  	_ =	shalt  }
0x5e: {  	_ =	shalt  }
0x5f: {  	_ =	shalt  }
0x60: {  	_ =	shalt  }
0x61: {  	_ =	shalt  }
0x62: {  	_ =	shalt  }
0x63: {  	_ =	shalt  }
0x64: {  	_ =	shalt  }
0x65: {  	_ =	shalt  }
0x66: {  	_ =	shalt  }
0x67: {  	_ =	shalt  }
0x68: {  	_ =	shalt  }
0x69: {  	_ =	shalt  }
0x6a: {  	_ =	shalt  }
0x6b: {  	_ =	shalt  }
0x6c: {  	_ =	shalt  }
0x6d: {  	_ =	shalt  }
0x6e: {  	_ =	shalt  }
0x6f: {  	_ =	shalt  }
0x70: {  	_ =	shalt  }
0x71: {  	_ =	shalt  }
0x72: {  	_ =	shalt  }
0x73: {  	_ =	shalt  }
0x74: {  	_ =	shalt  }
0x75: {  	_ =	shalt  }
0x76: {  	_ =	shalt  }
0x77: {  	_ =	shalt  }
0x78: {  	_ =	shalt  }
0x79: {  	_ =	shalt  }
0x7a: {  	_ =	shalt  }
0x7b: {  	_ =	shalt  }
0x7c: {  	_ =	shalt  }
0x7d: {  	_ =	shalt  }
0x7e: {  	_ =	shalt  }
0x7f: {  	_ =	shalt  }
0x80: {  	_ =	shalt  }
0x81: {  	_ =	shalt  }
0x82: {  	_ =	shalt  }
0x83: {  	_ =	shalt  }
0x84: {  	_ =	shalt  }
0x85: {  	_ =	shalt  }
0x86: {  	_ =	shalt  }
0x87: {  	_ =	shalt  }
.Lfunc_end0:
.L_simem_size_0:
called_computation_lowered:
.L_overlay_start_0:
0x88: {  	s2 =	sld [smem:$0x3FD9]  }
0x89: {  	s3 =	sld [smem:$0x3FFE];
	_ =	sdelay $0x1  }
0x8a: {  	s1 =	srdreg.scid  }
0x8b: {  	s0 =	sand.u32 $0x1, s1  }
0x8c: {  	s17 =	sshll.u32 s0, $0xA;
	s2 =	sadd.s32 s3, s2  }
0x8d: {  	s2 =	sadd.s32 s2, s17  }
0x8e: {  	[smem:$0x3FB8] =	sst s2  }
0x8f: {  	_ = 	snop  }
0x90: {  	s2 =	sld [smem:$0x3FD0];
	(tm) =	ssettm $0x1  }
0x91: {  	s18 =	sld [smem:$0x3FFB];
	_ =	sdelay $0x3  }
0x92: {  	_ =	strace s18  }
0x93: {  	s3 =	sld [smem:$0x3FFC];
	_ =	sdelay $0x3  }
0x94: {  	_ =	strace s3  }
0x95: {  	s3 =	sld [smem:$0x3FFD];
	_ =	sdelay $0x3  }
0x96: {  	_ =	strace s3  }
0x97: {  	_ =	strace $0x8FFFFFFF  }
0x98: {  	s19 =	sld [smem:$0x3FDB];
	_ =	sdelay $0x1  }
0x99: {  	s4 =	simm.s32 $_scs_section_size  }
0x9a: {  	s5 =	simm.s32 $_size__tile_overlayer_lowered;
	s6 =	simm.s32 $_tile_overlayer_lowered  }
0x9b: {  	s22 =	simm.s32 $0x1BFF;
	s21 =	sshll.u32 s6, $0x1;
	s3 =	sadd.s32 s4, s19  }
0x9c: {  	s7 =	simm.s32 $0x0;
	s20 =	sshll.u32 s5, $0x1;
	s5 =	sadd.s32 s21, s3  }
0x9d: {  	[timem:s7], [sflag:s22] =	dma.local [hbm:s5], s20  }
0x9e: {  	_ =	swait.ge [sflag:s22], s20  }
0x9f: {  	s4 =	ssub.s32 $0x0, s20;
	[sflag:s22] =	ssyncset.done $0x0  }
0xa0: {  	[sflag:s22] =	ssyncadd.s32 s4;
	_ =	sdelay $0x1  }
0xa1: {  	s23 =	simm.s32 $0x1B8B  }
0xa2: {  	_ =	swait.ge [sflag:s23], $0x1  }
0xa3: {  	[sflag:s23] =	ssyncset.done $0x0  }
0xa4: {  	s25 =	simm.s32 $0x1B8E;
	s24 =	sld [smem:$0x3FFE];
	[sflag:s23] =	ssyncadd.s32 $0xFFFFFFFF  }
0xa5: {  	s26 =	simm.s32 $execute0_lowered;
	[smem:$0x3FD2] =	sst s25  }
0xa6: {  	s5 =	sshll.u32 s26, $0x1;
	_ =	strace $0x80000046;
	[dreg:$0x1] =	wrdreg $0xFFFFFFFF  }
0xa7: {  	s28 =	simm.s32 $_size_execute0_lowered;
	s3 =	sadd.s32 s3, s5;
	[dreg:$0x0] =	wrdreg $0x0  }
0xa8: {  	s5 =	sshll.u32 s28, $0x1;
	[dreg:$0x2] =	wrdreg s3  }
0xa9: {  	[dreg:$0x3] =	wrdreg s5  }
0xaa: {  	[dreg:$0x4] =	wrdreg $0xC0  }
0xab: {  	_ =	task [dreg:s7], $0x5FFFF  }
0xac: {  	[dreg:$0x1] =	wrdreg $0xFFFFFFFF  }
0xad: {  	[dreg:$0x0] =	wrdreg $0x60  }
0xae: {  	[dreg:$0x2] =	wrdreg s2  }
0xaf: {  	[dreg:$0x3] =	wrdreg s24  }
0xb0: {  	[dreg:$0x4] =	wrdreg $0x9  }
0xb1: {  	_ =	task.clear_ibuf [dreg:s7], $0x5FFFF;
	_ =	strace $0x90000046  }
0xb2: {  	s29 =	simm.s32 $0x9;
	_ =	strace $0x80000048  }
0xb3: {  	_ =	swait.ge [sflag:s29], $0x1  }
0xb4: {  	[sflag:s29] =	ssyncadd.s32 $0xFFFFFFFF  }
0xb5: {  	_ =	strace $0x90000048  }
0xb6: {  	_ =	sfence  }
0xb7: {  	s30 =	sld [smem:$0x0];
	_ =	sdelay $0x2  }
0xb8: {  	s31 =	sshll.u32 s1, $0xD;
	s1 =	sshrl.u32 s1, $0x2  }
0xb9: {  	s3 =	sand.u32 $0x4000, s31;
	s1 =	sadd.s32 s1, s30  }
0xba: {  	s0 =	sor.u32 s3, s0;
	s1 =	sshll.u32 s1, $0x11  }
0xbb: {  	s0 =	sor.u32 s1, s0  }
0xbc: {  	s0 =	sadd.s32 $0x8F2B, s0  }
0xbd: {  	[sflag:s0] =	ssyncadd.remote.s32 $0x1  }
0xbe: {  	_ =	sfence.sel $0xFFFF  }
0xbf: {  	[dreg:$0x0] =	wrdreg $0xFFFFFFFF;
	(pc) =	sbr.abs _section_cstart, $3  }
0xc0: {  	[dreg:$0x1] =	wrdreg $0xFFFFFFFF  }
0xc1: {  	_ =	task.clear_ibuf [dreg:s7], $0x2FFFF;
	_ =	strace $0x9FFFFFFF  }
0xc2: {  	(tm) =	ssettm $0x7FFFFFFF  }
0xc3: {  	_ =	shalt  }
tec
execute0_lowered:
.L_overlay_start_1:
0x0: {  	(tag) =	ssettag $0x1  }
0x1: {  	s0 =	srdreg.scid;
	s2 =	rddreg [dreg:$0x0]  }
0x2: {  	s1 =	stileid.u32;
	s6 =	rddreg [dreg:$0x1];
	s4 =	simm.s32 $0x0  }
0x3: {  	s28 =	simm.s32 $0x16800;
	s29 =	simm.s32 $0x18F80;
	s31 =	simm.s32 $0x50  }
0x4: {  	s0 =	sand.u32 $0x1, s0;
	s1 =	sshll.u32 s1, $0x1;
	[smem:$0x7FF] =	sst s4  }
0x5: {  	s5 =	sadd.s32 $0x17600, s6;
	s8 =	sadd.s32 $0x17000, s6;
	s14 =	sadd.s32 $0x16A00, s6  }
0x6: {  	s15 =	sadd.s32 $0x16400, s6;
	s9 =	sadd.s32 $0x48600, s6;
	s10 =	sadd.s32 $0x52A600, s6  }
0x7: {  	s1 =	sor.u32 s0, s1;
	_ =	strace $0x80000047;
	[dreg:$0x3] =	wrdreg s8  }
0x8: {  	[dreg:$0x4] =	wrdreg s14;
	s0 =	ssub.s32 $0x2, s0;
	s3 =	smul.u32 $0x2710, s1  }
0x9: {  	s11 =	sadd.s32 $0x3E800, s6;
	[dreg:$0x5] =	wrdreg s15;
	s12 =	sshrl.u32 s0, $0x1  }
0xa: {  	s16 =	smul.u32 $0x3E8, s1;
	s0 =	ssub.s32 s0, s12;
	s7 =	sshrl.u32 s3, $0x3  }
0xb: {  	s1 =	smul.u32 $0x7D, s1;
	s0 =	smax.u32 s0, $0x1;
	s7 =	sadd.s32 s7, s6  }
0xc: {  	s8 =	sshrl.u32 s16, $0x3;
	[dreg:$0x12] =	wrdreg s0;
	s17 =	sadd.s32 $0xC600, s7  }
0xd: {  	s6 =	sadd.s32 $0xA0C600, s6;
	s7 =	sadd.s32 $0x2800, s7;
	[dreg:$0x6] =	wrdreg s17  }
0xe: {  	s8 =	sadd.s32 s6, s8;
	s1 =	sadd.s32 s6, s1;
	[dreg:$0x7] =	wrdreg s7  }
0xf: {  	s30 =	simm.s32 $0x9F00;
	[dreg:$0x8] =	wrdreg s1;
	s18 =	sadd.s32 $0xFA0, s8  }
0x10: {  	s13 =	simm.s32 $0x1;
	s19 =	sadd.s32 $0x1F40, s8;
	[dreg:$0x9] =	wrdreg s18  }
0x11: {  	s14 =	simm.s32 $0x0;
	s20 =	sadd.s32 $0x2EE0, s8;
	[dreg:$0xa] =	wrdreg s19  }
0x12: {  	s12 =	simm.s32 $0x11700;
	s21 =	sadd.s32 $0x3E80, s8;
	[dreg:$0xb] =	wrdreg s20  }
0x13: {  	s0 =	simm.s32 $0x7700;
	s22 =	sadd.s32 $0x4E20, s8;
	[dreg:$0xc] =	wrdreg s21  }
0x14: {  	s6 =	simm.s32 $0xC700;
	s23 =	sadd.s32 $0x5DC0, s8;
	[dreg:$0xd] =	wrdreg s22  }
0x15: {  	s24 =	sadd.s32 $0x6D60, s8;
	s25 =	sadd.s32 $0x7D00, s8;
	[dreg:$0xe] =	wrdreg s23  }
0x16: {  	s26 =	sadd.s32 $0x8CA0, s8;
	s1 =	simm.s32 $0x4F00;
	[dreg:$0xf] =	wrdreg s24  }
0x17: {  	s7 =	simm.s32 $0xEF00;
	s8 =	simm.s32 $0x11900;
	[dreg:$0x10] =	wrdreg s25  }
0x18: {  	v0 =	vimm.f32 $0.0e+00;
	v1 =	vimm.f32 $1.000000000e+00;
	[dreg:$0x11] =	wrdreg s26;
	s25 =	simm.s32 $0x14080;
	s26 =	simm.s32 $0x2  }
.LBB2_1:
0x19: {  	s15 =	rddreg [dreg:$0x3]  }
0x1a: {  	[tilespmem:s25], [sflag:$0x2] =	stream.linear.gather [hbm4b:s15+s4], $0x2780, $0x38;
	[tilespmem:$0x1B700] =	vst v63  }
0x1b: {  	_ =	swait.ge [sflag:s26], $0x2780  }
0x1c: {  	[sflag:s26] =	ssyncset.done $0x0  }
0x1d: {  	s21 =	rddreg [dreg:$0x4];
	[sflag:s26] =	ssyncadd.s32 $0xFFFFD880  }
0x1e: {  	[tilespmem:s28], [sflag:$0x2] =	stream.linear.gather [hbm4b:s21+s4], $0x2780, $0x38;
	[tilespmem:$0x1B700] =	vst v63  }
0x1f: {  	_ =	swait.ge [sflag:s26], $0x2780  }
0x20: {  	[sflag:s26] =	ssyncset.done $0x0  }
0x21: {  	s22 =	rddreg [dreg:$0x5];
	[sflag:s26] =	ssyncadd.s32 $0xFFFFD880  }
0x22: {  	[tilespmem:s29], [sflag:$0x2] =	stream.linear.gather [hbm4b:s22+s4], $0x2780, $0x38;
	[tilespmem:$0x1B700] =	vst v63  }
0x23: {  	_ =	swait.ge [sflag:s26], $0x2780  }
0x24: {  	[sflag:s26] =	ssyncset.done $0x0  }
0x25: {  	s23 =	rddreg [dreg:$0x6];
	[sflag:s26] =	ssyncadd.s32 $0xFFFFD880  }
0x26: {  	[tilespmem:s4], [sflag:$0x2] =	stream.linear.gather [hbm4b:s23+s4], $0x2710, $0x38;
	[tilespmem:$0x1B700] =	vst v63  }
0x27: {  	_ =	swait.ge [sflag:s26], $0x2710  }
0x28: {  	[sflag:s26] =	ssyncset.done $0x0  }
0x29: {  	s16 =	simm.s32 $0x2780;
	s24 =	rddreg [dreg:$0x7];
	[sflag:s26] =	ssyncadd.s32 $0xFFFFD8F0  }
0x2a: {  	[tilespmem:s16], [sflag:$0x2] =	stream.linear.gather [hbm4b:s24+s4], $0x2710, $0x38;
	[tilespmem:$0x1B700] =	vst v63  }
0x2b: {  	_ =	swait.ge [sflag:s26], $0x2710  }
0x2c: {  	[sflag:s26] =	ssyncset.done $0x0  }
0x2d: {  	s15 =	simm.s32 $0x0;
	[sflag:s26] =	ssyncadd.s32 $0xFFFFD8F0  }
.LBB2_2:
0x2e: {  	p0 =	sne.s32 s15, $0x9C00  }
.Ltmp0:
0x2f: {  	_ = 	snop;
	(pc) =	sbr.rel @p0 .LBB2_2-.Ltmp0, $3  }
0x30: {  	_ =	sdelay $0x1  }
0x31: {  	s16 =	sshra.s32 s15, $0x2  }
0x32: {  	s15 =	sadd.s32 $0x40, s15;
	[tilespmem:s16+$0x11900] =	vst v0  }
0x33: {  	s15 =	simm.s32 $0x0;
	s16 =	simm.s32 $0x2780;
	s17 =	simm.s32 $0x0  }
.LBB2_4:
0x34: {  	s18 =	smul.u32 $0x190, s17;
	_ =	sdelay $0x1  }
0x35: {  	[tilespmem:s1], [sflag:$0x1] =	stream.indirect.gather [hbm4b:s2+s31], $0x80, s18, s31, $0xb8;
	[tilespmem:$0x1B700] =	vst v63  }
0x36: {  	s19 =	sadd.s32 $0x50, s18  }
0x37: {  	[tilespmem:s0], [sflag:$0x1] =	stream.indirect.gather [hbm4b:s2+s31], $0x80, s19, s31, $0xb8;
	[tilespmem:$0x1B700] =	vst v63  }
0x38: {  	s20 =	sadd.s32 $0xA0, s18  }
0x39: {  	v3 =	vmov s15;
	[tilespmem:s30], [sflag:$0x1] =	stream.indirect.gather [hbm4b:s2+s31], $0x80, s20, s31, $0xb8;
	[tilespmem:$0x1B700] =	vst v63  }
0x3a: {  	s21 =	sadd.s32 $0xF0, s18  }
0x3b: {  	v4 =	vmov s16;
	[tilespmem:s6], [sflag:$0x1] =	stream.indirect.gather [hbm4b:s2+s31], $0x80, s21, s31, $0xb8;
	[tilespmem:$0x1B700] =	vst v63  }
0x3c: {  	s23 =	simm.s32 $0x0;
	s22 =	sadd.s32 $0x140, s18  }
0x3d: {  	[tilespmem:s7], [sflag:$0x1] =	stream.indirect.gather [hbm4b:s2+s31], $0x80, s22, s31, $0xb8;
	[tilespmem:$0x1B700] =	vst v63  }
0x3e: {  	v5 =	vld.idx.msk [tilespmem:v3+s23+$0x0 ss:$0x1], $0xffff;
	_ =	sdelay $0x1  }
0x3f: {  	v2 =	vld.idx.msk [tilespmem:v4+s23+$0x0 ss:$0x1], $0xffff  }
0x40: {  	s24 =	simm.s32 $0x40  }
.LBB2_5:
0x41: {  	p0 =	sne.s32 s24, $0x600;
	_ =	sdelay $0x3  }
0x42: {  	v6 =	vld.idx.msk [tilespmem:v5+s25+$0x0], $0xffff  }
0x43: {  	v7 =	vld.idx.msk [tilespmem:v5+s28+$0x0], $0xffff  }
0x44: {  	v8 =	vld.idx.msk [tilespmem:v2+s25+$0x0], $0xffff  }
0x45: {  	v9 =	vld.idx.msk [tilespmem:v2+s28+$0x0], $0xffff  }
0x46: {  	v5 =	vld.idx.msk [tilespmem:v5+s29+$0x0], $0xffff  }
0x47: {  	v10 =	vld.idx.msk [tilespmem:v2+s29+$0x0], $0xffff;
	_ =	sdelay $0x3  }
0x48: {  	v6 =	vsub.f32 v6, v8;
	v7 =	vsub.f32 v7, v9;
	_ =	sdelay $0x1  }
0x49: {  	v6 =	vmul.f32 v6, v6;
	v5 =	vsub.f32 v5, v10;
	v7 =	vmul.f32 v7, v7;
	_ =	sdelay $0x1  }
0x4a: {  	v6 =	vadd.f32 v7, v6;
	v5 =	vmul.f32 v5, v5;
	_ =	sdelay $0x1  }
0x4b: {  	v5 =	vadd.f32 v5, v6;
	_ =	sdelay $0x1  }
0x4c: {  	[tilespmem:s23+$0x11700] =	vst v5  }
.Ltmp1:
0x4d: {  	s23 =	sshra.s32 s24, $0x2;
	[tilespmem:v2+s8+$0x0] =	vst.idx.add.f32.msk $0xffff, v1;
	(pc) =	sbr.rel @p0 .LBB2_5-.Ltmp1, $3  }
0x4e: {  	v5 =	vld.idx.msk [tilespmem:v3+s23+$0x0 ss:$0x1], $0xffff;
	_ =	sdelay $0x1  }
0x4f: {  	v2 =	vld.idx.msk [tilespmem:v4+s23+$0x0 ss:$0x1], $0xffff  }
0x50: {  	s24 =	sadd.s32 $0x40, s24  }
0x51: {  	_ =	sdelay $0x4  }
0x52: {  	v3 =	vld.idx.msk [tilespmem:v5+s25+$0x0], $0xffff  }
0x53: {  	v4 =	vld.idx.msk [tilespmem:v5+s28+$0x0], $0xffff  }
0x54: {  	v6 =	vld.idx.msk [tilespmem:v2+s25+$0x0], $0xffff  }
0x55: {  	v7 =	vld.idx.msk [tilespmem:v2+s28+$0x0], $0xffff  }
0x56: {  	v62 =	vld.idx.msk [tilespmem:v5+s29+$0x0], $0xffff  }
0x57: {  	v8 =	vld.idx.msk [tilespmem:v2+s29+$0x0], $0xffff;
	_ =	sdelay $0x2  }
0x58: {  	v3 =	vsub.f32 v3, v6;
	v4 =	vsub.f32 v4, v7;
	_ =	sdelay $0x1  }
0x59: {  	v5 =	vsub.f32 v62, v8;
	v3 =	vmul.f32 v3, v3;
	v4 =	vmul.f32 v4, v4;
	_ =	sdelay $0x1  }
0x5a: {  	v63 =	vmul.f32 v5, v5;
	v3 =	vadd.f32 v4, v3;
	_ =	sdelay $0x1  }
0x5b: {  	v3 =	vadd.f32 v63, v3  }
0x5c: {  	s24 =	sadd.s32 s3, s18  }
0x5d: {  	[tilespmem:s23+$0x11700] =	vst v3;
	s23 =	sshrl.u32 s24, $0x3  }
0x5e: {  	[tilespmem:v2+s8+$0x0] =	vst.idx.add.f32.msk $0xffff, v1;
	s23 =	sadd.s32 s11, s23  }
0x5f: {  	[hbm4b:s23+s4] =	stream.linear.scatter [tilespmem:s12], [sflag:$0x2], $0x190, $0x38;
	[tilespmem:$0x1B700] =	vst v63  }
0x60: {  	_ =	swait.ge [sflag:s26], $0x190  }
0x61: {  	[sflag:s26] =	ssyncset.done $0x0  }
0x62: {  	[sflag:s26] =	ssyncadd.s32 $0xFFFFFE70  }
0x63: {  	_ =	swait.ge [sflag:s13], $0x2800  }
0x64: {  	[sflag:s13] =	ssyncset.done $0x0  }
0x65: {  	[sflag:s13] =	ssyncadd.s32 $0xFFFFD800  }
0x66: {  	_ =	swait.ge [sflag:s13], $0x2800  }
0x67: {  	[sflag:s13] =	ssyncset.done $0x0  }
0x68: {  	[sflag:s13] =	ssyncadd.s32 $0xFFFFD800  }
0x69: {  	_ =	swait.ge [sflag:s13], $0x2800  }
0x6a: {  	[sflag:s13] =	ssyncset.done $0x0  }
0x6b: {  	[sflag:s13] =	ssyncadd.s32 $0xFFFFD800  }
0x6c: {  	_ =	swait.ge [sflag:s13], $0x2800  }
0x6d: {  	[sflag:s13] =	ssyncset.done $0x0  }
0x6e: {  	[sflag:s13] =	ssyncadd.s32 $0xFFFFD800  }
0x6f: {  	_ =	swait.ge [sflag:s13], $0x2800  }
0x70: {  	s23 =	sshll.u32 s24, $0x4;
	[sflag:s13] =	ssyncset.done $0x0  }
0x71: {  	s24 =	sadd.s32 s9, s23;
	[sflag:s13] =	ssyncadd.s32 $0xFFFFD800  }
0x72: {  	[hbm4b:s24+s4] =	stream.linear.scatter [tilespmem:s1], [sflag:$0x2], $0xC800, $0x38;
	[tilespmem:$0x1B700] =	vst v63  }
0x73: {  	_ =	swait.ge [sflag:s26], $0xC800  }
0x74: {  	[sflag:s26] =	ssyncset.done $0x0  }
0x75: {  	s24 =	sadd.s32 $0x2780, s18;
	[sflag:s26] =	ssyncadd.s32 $0xFFFF3800  }
0x76: {  	[tilespmem:s1], [sflag:$0x1] =	stream.indirect.gather [hbm4b:s5+s31], $0x80, s24, s31, $0xb8;
	[tilespmem:$0x1B700] =	vst v63  }
0x77: {  	s19 =	sadd.s32 $0x2780, s19  }
0x78: {  	[tilespmem:s0], [sflag:$0x1] =	stream.indirect.gather [hbm4b:s5+s31], $0x80, s19, s31, $0xb8;
	[tilespmem:$0x1B700] =	vst v63  }
0x79: {  	s20 =	sadd.s32 $0x2780, s20  }
0x7a: {  	[tilespmem:s30], [sflag:$0x1] =	stream.indirect.gather [hbm4b:s5+s31], $0x80, s20, s31, $0xb8;
	[tilespmem:$0x1B700] =	vst v63  }
0x7b: {  	s21 =	sadd.s32 $0x2780, s21  }
0x7c: {  	[tilespmem:s6], [sflag:$0x1] =	stream.indirect.gather [hbm4b:s5+s31], $0x80, s21, s31, $0xb8;
	[tilespmem:$0x1B700] =	vst v63  }
0x7d: {  	s22 =	sadd.s32 $0x2780, s22  }
0x7e: {  	[tilespmem:s7], [sflag:$0x1] =	stream.indirect.gather [hbm4b:s5+s31], $0x80, s22, s31, $0xb8;
	[tilespmem:$0x1B700] =	vst v63  }
0x7f: {  	_ =	swait.ge [sflag:s13], $0x2800  }
0x80: {  	[sflag:s13] =	ssyncset.done $0x0  }
0x81: {  	[sflag:s13] =	ssyncadd.s32 $0xFFFFD800  }
0x82: {  	_ =	swait.ge [sflag:s13], $0x2800  }
0x83: {  	[sflag:s13] =	ssyncset.done $0x0  }
0x84: {  	[sflag:s13] =	ssyncadd.s32 $0xFFFFD800  }
0x85: {  	_ =	swait.ge [sflag:s13], $0x2800  }
0x86: {  	[sflag:s13] =	ssyncset.done $0x0  }
0x87: {  	[sflag:s13] =	ssyncadd.s32 $0xFFFFD800  }
0x88: {  	_ =	swait.ge [sflag:s13], $0x2800  }
0x89: {  	[sflag:s13] =	ssyncset.done $0x0  }
0x8a: {  	[sflag:s13] =	ssyncadd.s32 $0xFFFFD800  }
0x8b: {  	s17 =	sadd.s32 $0x1, s17;
	_ =	swait.ge [sflag:s13], $0x2800  }
0x8c: {  	p0 =	sne.s32 s17, $0x19;
	[sflag:s13] =	ssyncset.done $0x0  }
.Ltmp2:
0x8d: {  	s24 =	sadd.s32 s10, s23;
	[sflag:s13] =	ssyncadd.s32 $0xFFFFD800;
	(pc) =	sbr.rel @p0 .LBB2_4-.Ltmp2, $4  }
0x8e: {  	[hbm4b:s24+s4] =	stream.linear.scatter [tilespmem:s1], [sflag:$0x2], $0xC800, $0x38;
	[tilespmem:$0x1B700] =	vst v63  }
0x8f: {  	_ =	swait.ge [sflag:s26], $0xC800  }
0x90: {  	[sflag:s26] =	ssyncset.done $0x0  }
0x91: {  	s15 =	sadd.s32 $0x190, s15;
	s16 =	sadd.s32 $0x190, s16;
	[sflag:s26] =	ssyncadd.s32 $0xFFFF3800  }
0x92: {  	s15 =	rddreg [dreg:$0x8]  }
0x93: {  	[hbm4b:s15+s4] =	stream.linear.scatter [tilespmem:s8], [sflag:$0x2], $0x3E8, $0x38;
	[tilespmem:$0x1B700] =	vst v63  }
0x94: {  	_ =	swait.ge [sflag:s26], $0x3E8  }
0x95: {  	[sflag:s26] =	ssyncset.done $0x0  }
0x96: {  	s16 =	simm.s32 $0x11CE8;
	s24 =	rddreg [dreg:$0x9];
	[sflag:s26] =	ssyncadd.s32 $0xFFFFFC18  }
0x97: {  	[hbm4b:s24+s4] =	stream.linear.scatter [tilespmem:s16], [sflag:$0x2], $0x3E8, $0x38;
	[tilespmem:$0x1B700] =	vst v63  }
0x98: {  	_ =	swait.ge [sflag:s26], $0x3E8  }
0x99: {  	[sflag:s26] =	ssyncset.done $0x0  }
0x9a: {  	s18 =	simm.s32 $0x120D0;
	s17 =	rddreg [dreg:$0xa];
	[sflag:s26] =	ssyncadd.s32 $0xFFFFFC18  }
0x9b: {  	[hbm4b:s17+s4] =	stream.linear.scatter [tilespmem:s18], [sflag:$0x2], $0x3E8, $0x38;
	[tilespmem:$0x1B700] =	vst v63  }
0x9c: {  	_ =	swait.ge [sflag:s26], $0x3E8  }
0x9d: {  	[sflag:s26] =	ssyncset.done $0x0  }
0x9e: {  	s20 =	simm.s32 $0x124B8;
	s19 =	rddreg [dreg:$0xb];
	[sflag:s26] =	ssyncadd.s32 $0xFFFFFC18  }
0x9f: {  	[hbm4b:s19+s4] =	stream.linear.scatter [tilespmem:s20], [sflag:$0x2], $0x3E8, $0x38;
	[tilespmem:$0x1B700] =	vst v63  }
0xa0: {  	_ =	swait.ge [sflag:s26], $0x3E8  }
0xa1: {  	[sflag:s26] =	ssyncset.done $0x0  }
0xa2: {  	s22 =	simm.s32 $0x128A0;
	s21 =	rddreg [dreg:$0xc];
	[sflag:s26] =	ssyncadd.s32 $0xFFFFFC18  }
0xa3: {  	[hbm4b:s21+s4] =	stream.linear.scatter [tilespmem:s22], [sflag:$0x2], $0x3E8, $0x38;
	[tilespmem:$0x1B700] =	vst v63  }
0xa4: {  	_ =	swait.ge [sflag:s26], $0x3E8  }
0xa5: {  	[sflag:s26] =	ssyncset.done $0x0  }
0xa6: {  	s24 =	simm.s32 $0x12C88;
	s23 =	rddreg [dreg:$0xd];
	[sflag:s26] =	ssyncadd.s32 $0xFFFFFC18  }
0xa7: {  	[hbm4b:s23+s4] =	stream.linear.scatter [tilespmem:s24], [sflag:$0x2], $0x3E8, $0x38;
	[tilespmem:$0x1B700] =	vst v63  }
0xa8: {  	_ =	swait.ge [sflag:s26], $0x3E8  }
0xa9: {  	[sflag:s26] =	ssyncset.done $0x0  }
0xaa: {  	s17 =	simm.s32 $0x13070;
	s16 =	rddreg [dreg:$0xe];
	[sflag:s26] =	ssyncadd.s32 $0xFFFFFC18  }
0xab: {  	[hbm4b:s16+s4] =	stream.linear.scatter [tilespmem:s17], [sflag:$0x2], $0x3E8, $0x38;
	[tilespmem:$0x1B700] =	vst v63  }
0xac: {  	_ =	swait.ge [sflag:s26], $0x3E8  }
0xad: {  	[sflag:s26] =	ssyncset.done $0x0  }
0xae: {  	s19 =	simm.s32 $0x13458;
	s18 =	rddreg [dreg:$0xf];
	[sflag:s26] =	ssyncadd.s32 $0xFFFFFC18  }
0xaf: {  	[hbm4b:s18+s4] =	stream.linear.scatter [tilespmem:s19], [sflag:$0x2], $0x3E8, $0x38;
	[tilespmem:$0x1B700] =	vst v63  }
0xb0: {  	_ =	swait.ge [sflag:s26], $0x3E8  }
0xb1: {  	[sflag:s26] =	ssyncset.done $0x0  }
0xb2: {  	s21 =	simm.s32 $0x13840;
	s20 =	rddreg [dreg:$0x10];
	[sflag:s26] =	ssyncadd.s32 $0xFFFFFC18  }
0xb3: {  	[hbm4b:s20+s4] =	stream.linear.scatter [tilespmem:s21], [sflag:$0x2], $0x3E8, $0x38;
	[tilespmem:$0x1B700] =	vst v63  }
0xb4: {  	_ =	swait.ge [sflag:s26], $0x3E8  }
0xb5: {  	[sflag:s26] =	ssyncset.done $0x0  }
0xb6: {  	s23 =	simm.s32 $0x13C28;
	s22 =	rddreg [dreg:$0x11];
	[sflag:s26] =	ssyncadd.s32 $0xFFFFFC18  }
0xb7: {  	[hbm4b:s22+s4] =	stream.linear.scatter [tilespmem:s23], [sflag:$0x2], $0x3E8, $0x38;
	[tilespmem:$0x1B700] =	vst v63  }
0xb8: {  	_ =	swait.ge [sflag:s26], $0x3E8  }
0xb9: {  	s14 =	sadd.s32 $0x1, s14;
	s24 =	rddreg [dreg:$0x12]  }
0xba: {  	p0 =	sne.s32 s14, s24  }
.Ltmp3:
0xbb: {  	_ = 	snop;
	(pc) =	sbr.rel @p0 .LBB2_1-.Ltmp3, $3  }
0xbc: {  	_ =	sdelay $0x1  }
0xbd: {  	[sflag:s26] =	ssyncset.done $0x0  }
0xbe: {  	[sflag:s26] =	ssyncadd.s32 $0xFFFFFC18  }
0xbf: {  	_ =	sfence.sel $0x180000  }
0xc0: {  	[bflag:$0x0] =	sbarrier.arrive $0xFFFF  }
0xc1: {  	_ =	strace $0x90000047  }
0xc2: {  	s0 =	stileid.u32;
	[bflag:$0x2] =	sbarrier.arrive $0xFFFF  }
0xc3: {  	p0 =	sne.s32 s0, $0x0;
	s0 =	rddreg [dreg:$0x2]  }
0xc4: {  	s0 =	sadd.s32 @!p0 $0x100000, s0  }
0xc5: {  	[sflag:s0] =	ssyncadd.tile.s32 @!p0 $0x1;
	_ =	shalt  }
.Lfunc_end2:
_tile_overlayer_lowered:
.L_overlay_start_2:
0xc6: {  	(tag) =	ssettag $0x2  }
0xc7: {  	s0 =	rddreg [dreg:$0x0];
	s2 =	stileid.u32  }
0xc8: {  	s1 =	rddreg [dreg:$0x1];
	p0 =	sne.s32 s2, $0x0  }
0xc9: {  	s3 =	rddreg [dreg:$0x2];
	[bflag:$0x3] =	sbarrier.arrive $0xFFFF;
	s2 =	simm.s32 @!p0 $0x1C02  }
0xca: {  	[timem:s3], [sflag:s2] =	dma.local @!p0 [hbm:s0], s1  }
0xcb: {  	s0 =	simm.s32 @!p0 $0x2  }
0xcc: {  	_ =	swait.ge @!p0 [sflag:s0], s1  }
0xcd: {  	s1 =	ssub.s32 @!p0 $0x0, s1;
	[sflag:s0] =	ssyncset.done @!p0 $0x0  }
0xce: {  	[sflag:s0] =	ssyncadd.s32 @!p0 s1  }
0xcf: {  	[bflag:$0x3] =	sbarrier.arrive $0xFFFF  }
0xd0: {  	_ =	shalt  }

</sc_bundles>
